<compile_context>
chip_gen: v7x
topology: tpu7x:2x2x1
jax: 0.10.2.dev20260603
libtpu: 0.0.44.dev20260713+nightly
codegen_flags: <defaults>
</compile_context>

<pallas_src>
import functools

import jax
import jax.numpy as jnp
from jax.experimental import pallas as pl
from jax.experimental.pallas import tpu as pltpu

B = 4096
IN_DIM = 3072
Z = 4096
K = 256
L = 16
H = 400
TILE = 256

_PREC = jax.lax.Precision.DEFAULT


def _dot(a, b):
    return jnp.dot(a, b, precision=_PREC, preferred_element_type=jnp.float32)


def _enc_body(x_ref, W1_ref, b1_ref, W2_ref, b2_ref, zt_ref):
    h = jax.nn.relu(_dot(x_ref[...], W1_ref[...]) + b1_ref[...])
    zt_ref[...] = _dot(h, W2_ref[...]) + b2_ref[...]


def _vq_body(zt_ref, w_ref, wT_ref, wsq_ref, emb_ref, idx_ref):
    zt = zt_ref[...]
    w = w_ref[...]
    wsq = wsq_ref[...]
    iota = jax.lax.broadcasted_iota(jnp.int32, (TILE, K), 1)
    ts = [_dot(zt[:, l * K:(l + 1) * K], w) for l in range(L)]
    os = []
    idxs = []
    for l in range(L):
        xl = zt[:, l * K:(l + 1) * K]
        xsq = jnp.sum(xl * xl, axis=1, keepdims=True)
        d = xsq - 2.0 * ts[l] + wsq
        dmin = jnp.min(d, axis=1, keepdims=True)
        idx = jnp.min(jnp.where(d == dmin, iota, K), axis=1, keepdims=True)
        idxs.append(idx)
        os.append((iota == idx).astype(jnp.float32))
    idx_ref[...] = jnp.concatenate(idxs, axis=1)
    wT3 = wT_ref[...]
    for l in range(L):
        em = _dot(os[l], wT3)
        emb_ref[:, l * K:(l + 1) * K] = (
            em[:, :K] + em[:, K:2 * K] + em[:, 2 * K:])


def _dec_body(idx_ref, G_ref, b3_ref, W4_ref, b4_ref, recon_ref):
    iota = jax.lax.broadcasted_iota(jnp.int32, (TILE, K), 1)
    idxs = idx_ref[...]
    os = [(iota == idxs[:, l:l + 1]).astype(jnp.float32) for l in range(L)]
    O_all = jnp.concatenate(os, axis=1)
    h2 = jax.nn.relu(_dot(O_all, G_ref[...]) + b3_ref[...])
    recon_ref[...] = jax.nn.sigmoid(_dot(h2, W4_ref[...]) + b4_ref[...])


@functools.partial(jax.jit, static_argnums=())
def kernel(x, W1, b1, W2, b2, emb_weight, W3, b3, W4, b4):
    W2p = W2.reshape(H, K, L).transpose(0, 2, 1).reshape(H, Z)
    b2p = b2.reshape(K, L).T.reshape(1, Z)
    w = emb_weight
    wT = emb_weight.T
    wT_hi = wT.astype(jnp.bfloat16).astype(jnp.float32)
    r = wT - wT_hi
    wT_mid = r.astype(jnp.bfloat16).astype(jnp.float32)
    wT3 = jnp.concatenate([wT_hi, wT_mid, r - wT_mid], axis=1)
    wsq = jnp.sum(w * w, axis=0).reshape(1, K)
    G = jnp.einsum('dk,dlh->lkh', w, W3.reshape(K, L, H),
                   precision=_PREC,
                   preferred_element_type=jnp.float32).reshape(Z, H)

    n_tiles = B // TILE
    full = lambda shape: pl.BlockSpec(shape, lambda i: (0,) * len(shape))
    row = lambda shape: pl.BlockSpec(shape, lambda i: (i, 0))
    params = pltpu.CompilerParams(vmem_limit_bytes=62 * 1024 * 1024)

    zt = pl.pallas_call(
        _enc_body,
        grid=(n_tiles,),
        compiler_params=params,
        in_specs=[row((TILE, IN_DIM)), full((IN_DIM, H)), full((1, H)),
                  full((H, Z)), full((1, Z))],
        out_specs=row((TILE, Z)),
        out_shape=jax.ShapeDtypeStruct((B, Z), jnp.float32),
    )(x, W1, b1.reshape(1, H), W2p, b2p)

    emb_flat, idx_all = pl.pallas_call(
        _vq_body,
        grid=(n_tiles,),
        compiler_params=params,
        in_specs=[row((TILE, Z)), full((K, K)), full((K, 3 * K)),
                  full((1, K))],
        out_specs=[row((TILE, Z)), row((TILE, L))],
        out_shape=[jax.ShapeDtypeStruct((B, Z), jnp.float32),
                   jax.ShapeDtypeStruct((B, L), jnp.int32)],
    )(zt, w, wT3, wsq)

    recon = pl.pallas_call(
        _dec_body,
        grid=(n_tiles,),
        compiler_params=params,
        in_specs=[row((TILE, L)), full((Z, H)), full((1, H)),
                  full((H, IN_DIM)), full((1, IN_DIM))],
        out_specs=row((TILE, IN_DIM)),
        out_shape=jax.ShapeDtypeStruct((B, IN_DIM), jnp.float32),
    )(idx_all, G, b3.reshape(1, H), W4, b4.reshape(1, IN_DIM))

    z_e = zt.reshape(B, L, K).transpose(0, 2, 1)
    emb = emb_flat.reshape(B, L, K).transpose(0, 2, 1)
    return (recon, z_e, emb)

# --- scband reference (transcript-rebuilt; emitter-appended) ---
"""Pipeline reference for scband-vq-vae-20529943675249 (READ-ONLY COPY).

The authoritative reference and input builder live on the scoring server;
editing this copy changes nothing except your own understanding.
"""

import jax, jax.numpy as jnp
import numpy as np

IN_DIM = 3072
Z_DIM = 4096
K = 256
EMB_DIM = K
L = Z_DIM // EMB_DIM
BATCH = 4096


def quantize(x, weight, weight_sg):
    # x: (B, D, L); weight: (D, K). Nearest-neighbor over channel dim D,
    # straight-through estimator matching NearestEmbedFunc semantics.
    w = jax.lax.stop_gradient(weight) if weight_sg else weight
    B, D, Lx = x.shape
    xf = jnp.transpose(x, (0, 2, 1)).reshape(-1, D)  # (N, D)
    xs = jax.lax.stop_gradient(xf)
    ws = jax.lax.stop_gradient(w)
    d = jnp.sum(xs * xs, axis=1, keepdims=True) - 2.0 * (xs @ ws) + jnp.sum(ws * ws, axis=0)[None, :]
    idx = jnp.argmin(d, axis=1)  # (N,)
    q = jnp.take(w.T, idx, axis=0).reshape(B, Lx, D).transpose(0, 2, 1)  # (B, D, L)
    # value == q; grad wrt x is identity (straight-through); grad wrt weight via gather (if not sg)
    return (x - jax.lax.stop_gradient(x)) + q


def setup_inputs(seed: int = 0):
    key = jax.random.key(seed)
    ks = jax.random.split(key, 10)
    x = jax.random.uniform(ks[0], (BATCH, IN_DIM), dtype=jnp.float32)
    s1 = 1.0 / np.sqrt(IN_DIM)
    W1 = jax.random.uniform(ks[1], (IN_DIM, 400), minval=-s1, maxval=s1, dtype=jnp.float32)
    b1 = jax.random.uniform(ks[2], (400,), minval=-s1, maxval=s1, dtype=jnp.float32)
    s2 = 1.0 / np.sqrt(400)
    W2 = jax.random.uniform(ks[3], (400, Z_DIM), minval=-s2, maxval=s2, dtype=jnp.float32)
    b2 = jax.random.uniform(ks[4], (Z_DIM,), minval=-s2, maxval=s2, dtype=jnp.float32)
    emb_weight = jax.random.normal(ks[5], (EMB_DIM, K), dtype=jnp.float32) * (1.0 / np.sqrt(K))
    s3 = 1.0 / np.sqrt(Z_DIM)
    W3 = jax.random.uniform(ks[6], (Z_DIM, 400), minval=-s3, maxval=s3, dtype=jnp.float32)
    b3 = jax.random.uniform(ks[7], (400,), minval=-s3, maxval=s3, dtype=jnp.float32)
    s4 = 1.0 / np.sqrt(400)
    W4 = jax.random.uniform(ks[8], (400, IN_DIM), minval=-s4, maxval=s4, dtype=jnp.float32)
    b4 = jax.random.uniform(ks[9], (IN_DIM,), minval=-s4, maxval=s4, dtype=jnp.float32)
    return {"x": x, "W1": W1, "b1": b1, "W2": W2, "b2": b2, "emb_weight": emb_weight, "W3": W3, "b3": b3, "W4": W4, "b4": b4}


def reference(x, W1, b1, W2, b2, emb_weight, W3, b3, W4, b4):
    xf = x.reshape(-1, IN_DIM)
    h = jax.nn.relu(xf @ W1 + b1)
    z = h @ W2 + b2
    z_e = z.reshape(-1, EMB_DIM, L)
    z_q = quantize(z_e, emb_weight, weight_sg=True).reshape(-1, Z_DIM)
    emb = quantize(jax.lax.stop_gradient(z_e), emb_weight, weight_sg=False)
    h2 = jax.nn.relu(z_q @ W3 + b3)
    recon_x = jax.nn.sigmoid(h2 @ W4 + b4)
    return (recon_x, z_e, emb)

if __name__ == "__main__":
    import jax
    _d = setup_inputs()
    print(jax.jit(kernel)(*tuple(_d.values())))

</pallas_src>

<mosaic_0001>
module attributes {stable_mosaic.version = 14 : i64} {
  func.func @_enc_body(%arg0: i32, %arg1: memref<256x3072xf32, #tpu.memory_space<vmem>>, %arg2: memref<3072x400xf32, #tpu.memory_space<vmem>>, %arg3: memref<1x400xf32, #tpu.memory_space<vmem>>, %arg4: memref<400x4096xf32, #tpu.memory_space<vmem>>, %arg5: memref<1x4096xf32, #tpu.memory_space<vmem>>, %arg6: memref<256x4096xf32, #tpu.memory_space<vmem>>) attributes {dimension_semantics = [#tpu.dimension_semantics<arbitrary>], iteration_bounds = array<i64: 16>, scalar_prefetch = 0 : i64, scratch_operands = 0 : i64, tpu.core_type = #tpu.core_type<tc>, window_params = [{transform_indices = @transform_0, window_bounds = array<i64: 256, 3072>}, {pipeline_mode = #tpu.pipeline_mode<synchronous>, transform_indices = @transform_1, window_bounds = array<i64: 3072, 400>}, {pipeline_mode = #tpu.pipeline_mode<synchronous>, transform_indices = @transform_2, window_bounds = array<i64: 1, 400>}, {pipeline_mode = #tpu.pipeline_mode<synchronous>, transform_indices = @transform_3, window_bounds = array<i64: 400, 4096>}, {pipeline_mode = #tpu.pipeline_mode<synchronous>, transform_indices = @transform_4, window_bounds = array<i64: 1, 4096>}, {transform_indices = @transform_5, window_bounds = array<i64: 256, 4096>}]} {
    %get3A = arith.constant 0 : index
    %get3A_0 = arith.constant 0 : index
    %get3A_1 = vector.load %arg1[%get3A, %get3A_0] : memref<256x3072xf32, #tpu.memory_space<vmem>>, vector<256x3072xf32>
    %get3A_2 = arith.constant 0 : index
    %get3A_3 = arith.constant 0 : index
    %get3A_4 = vector.load %arg2[%get3A_2, %get3A_3] : memref<3072x400xf32, #tpu.memory_space<vmem>>, vector<3072x400xf32>
    %dot_general3A = arith.constant dense<0.000000e+00> : vector<256x400xf32>
    %dot_general3A_5 = tpu.matmul %get3A_1, %get3A_4, %dot_general3A {dimension_numbers = #tpu.dot_dimension_numbers<[1], [0], [0], [1], [0, 0, 1, 1], [], []>, transpose_lhs_hint = false} : vector<256x3072xf32>, vector<3072x400xf32>, vector<256x400xf32> -> vector<256x400xf32>
    %get3A_6 = arith.constant 0 : index
    %get3A_7 = arith.constant 0 : index
    %get3A_8 = vector.load %arg3[%get3A_6, %get3A_7] : memref<1x400xf32, #tpu.memory_space<vmem>>, vector<1x400xf32>
    %add3A = vector.broadcast %get3A_8 : vector<1x400xf32> to vector<256x400xf32>
    %add3A_9 = arith.addf %dot_general3A_5, %add3A : vector<256x400xf32>
    %max3A = arith.constant 0.000000e+00 : f32
    %max3A_10 = vector.broadcast %max3A : f32 to vector<256x400xf32>
    %max3A_11 = arith.maximumf %add3A_9, %max3A_10 : vector<256x400xf32>
    %get3A_12 = arith.constant 0 : index
    %get3A_13 = arith.constant 0 : index
    %get3A_14 = vector.load %arg4[%get3A_12, %get3A_13] : memref<400x4096xf32, #tpu.memory_space<vmem>>, vector<400x4096xf32>
    %dot_general3A_15 = arith.constant dense<0.000000e+00> : vector<256x4096xf32>
    %dot_general3A_16 = tpu.matmul %max3A_11, %get3A_14, %dot_general3A_15 {dimension_numbers = #tpu.dot_dimension_numbers<[1], [0], [0], [1], [0, 0, 1, 1], [], []>, transpose_lhs_hint = false} : vector<256x400xf32>, vector<400x4096xf32>, vector<256x4096xf32> -> vector<256x4096xf32>
    %get3A_17 = arith.constant 0 : index
    %get3A_18 = arith.constant 0 : index
    %get3A_19 = vector.load %arg5[%get3A_17, %get3A_18] : memref<1x4096xf32, #tpu.memory_space<vmem>>, vector<1x4096xf32>
    %add3A_20 = vector.broadcast %get3A_19 : vector<1x4096xf32> to vector<256x4096xf32>
    %add3A_21 = arith.addf %dot_general3A_16, %add3A_20 : vector<256x4096xf32>
    %swap3A = arith.constant 0 : index
    %swap3A_22 = arith.constant 0 : index
    %swap3A_23 = vector.load %arg6[%swap3A, %swap3A_22] : memref<256x4096xf32, #tpu.memory_space<vmem>>, vector<256x4096xf32>
    tpu.vector_store %arg6[%swap3A, %swap3A_22], %add3A_21 {strides = array<i32>} : memref<256x4096xf32, #tpu.memory_space<vmem>>, vector<256x4096xf32>,
    return
  }
  func.func @transform_0(%arg0: i32) -> (i32, i32) {
    %c0_i32 = arith.constant 0 : i32
    %c0_i32_0 = arith.constant 0 : i32
    return %arg0, %c0_i32 : i32, i32
  }
  func.func @transform_1(%arg0: i32) -> (i32, i32) {
    %c0_i32 = arith.constant 0 : i32
    %c0_i32_0 = arith.constant 0 : i32
    %c0_i32_1 = arith.constant 0 : i32
    return %c0_i32, %c0_i32_0 : i32, i32
  }
  func.func @transform_2(%arg0: i32) -> (i32, i32) {
    %c0_i32 = arith.constant 0 : i32
    %c0_i32_0 = arith.constant 0 : i32
    %c0_i32_1 = arith.constant 0 : i32
    return %c0_i32, %c0_i32_0 : i32, i32
  }
  func.func @transform_3(%arg0: i32) -> (i32, i32) {
    %c0_i32 = arith.constant 0 : i32
    %c0_i32_0 = arith.constant 0 : i32
    %c0_i32_1 = arith.constant 0 : i32
    return %c0_i32, %c0_i32_0 : i32, i32
  }
  func.func @transform_4(%arg0: i32) -> (i32, i32) {
    %c0_i32 = arith.constant 0 : i32
    %c0_i32_0 = arith.constant 0 : i32
    %c0_i32_1 = arith.constant 0 : i32
    return %c0_i32, %c0_i32_0 : i32, i32
  }
  func.func @transform_5(%arg0: i32) -> (i32, i32) {
    %c0_i32 = arith.constant 0 : i32
    %c0_i32_0 = arith.constant 0 : i32
    return %arg0, %c0_i32 : i32, i32
  }
}

module attributes {stable_mosaic.version = 14 : i64} {
  func.func @_vq_body(%arg0: i32, %arg1: memref<256x4096xf32, #tpu.memory_space<vmem>>, %arg2: memref<256x256xf32, #tpu.memory_space<vmem>>, %arg3: memref<256x768xf32, #tpu.memory_space<vmem>>, %arg4: memref<1x256xf32, #tpu.memory_space<vmem>>, %arg5: memref<256x4096xf32, #tpu.memory_space<vmem>>, %arg6: memref<256x16xi32, #tpu.memory_space<vmem>>) attributes {dimension_semantics = [#tpu.dimension_semantics<arbitrary>], iteration_bounds = array<i64: 16>, scalar_prefetch = 0 : i64, scratch_operands = 0 : i64, tpu.core_type = #tpu.core_type<tc>, window_params = [{transform_indices = @transform_0, window_bounds = array<i64: 256, 4096>}, {pipeline_mode = #tpu.pipeline_mode<synchronous>, transform_indices = @transform_1, window_bounds = array<i64: 256, 256>}, {pipeline_mode = #tpu.pipeline_mode<synchronous>, transform_indices = @transform_2, window_bounds = array<i64: 256, 768>}, {pipeline_mode = #tpu.pipeline_mode<synchronous>, transform_indices = @transform_3, window_bounds = array<i64: 1, 256>}, {transform_indices = @transform_4, window_bounds = array<i64: 256, 4096>}, {transform_indices = @transform_5, window_bounds = array<i64: 256, 16>}]} {
    %get3A = arith.constant 0 : index
    %get3A_0 = arith.constant 0 : index
    %get3A_1 = vector.load %arg1[%get3A, %get3A_0] : memref<256x4096xf32, #tpu.memory_space<vmem>>, vector<256x4096xf32>
    %get3A_2 = arith.constant 0 : index
    %get3A_3 = arith.constant 0 : index
    %get3A_4 = vector.load %arg2[%get3A_2, %get3A_3] : memref<256x256xf32, #tpu.memory_space<vmem>>, vector<256x256xf32>
    %get3A_5 = arith.constant 0 : index
    %get3A_6 = arith.constant 0 : index
    %get3A_7 = vector.load %arg4[%get3A_5, %get3A_6] : memref<1x256xf32, #tpu.memory_space<vmem>>, vector<1x256xf32>
    %iota3A = tpu.iota {dimensions = array<i32: 1>} : vector<256x256xi32>
    %slice3A = vector.extract_strided_slice %get3A_1 {offsets = [0, 0], sizes = [256, 256], strides = [1, 1]} : vector<256x4096xf32> to vector<256x256xf32>
    %dot_general3A = arith.constant dense<0.000000e+00> : vector<256x256xf32>
    %dot_general3A_8 = tpu.matmul %slice3A, %get3A_4, %dot_general3A {dimension_numbers = #tpu.dot_dimension_numbers<[1], [0], [0], [1], [0, 0, 1, 1], [], []>, transpose_lhs_hint = false} : vector<256x256xf32>, vector<256x256xf32>, vector<256x256xf32> -> vector<256x256xf32>
    %slice3A_9 = vector.extract_strided_slice %get3A_1 {offsets = [0, 256], sizes = [256, 256], strides = [1, 1]} : vector<256x4096xf32> to vector<256x256xf32>
    %dot_general3A_10 = arith.constant dense<0.000000e+00> : vector<256x256xf32>
    %dot_general3A_11 = tpu.matmul %slice3A_9, %get3A_4, %dot_general3A_10 {dimension_numbers = #tpu.dot_dimension_numbers<[1], [0], [0], [1], [0, 0, 1, 1], [], []>, transpose_lhs_hint = false} : vector<256x256xf32>, vector<256x256xf32>, vector<256x256xf32> -> vector<256x256xf32>
    %slice3A_12 = vector.extract_strided_slice %get3A_1 {offsets = [0, 512], sizes = [256, 256], strides = [1, 1]} : vector<256x4096xf32> to vector<256x256xf32>
    %dot_general3A_13 = arith.constant dense<0.000000e+00> : vector<256x256xf32>
    %dot_general3A_14 = tpu.matmul %slice3A_12, %get3A_4, %dot_general3A_13 {dimension_numbers = #tpu.dot_dimension_numbers<[1], [0], [0], [1], [0, 0, 1, 1], [], []>, transpose_lhs_hint = false} : vector<256x256xf32>, vector<256x256xf32>, vector<256x256xf32> -> vector<256x256xf32>
    %slice3A_15 = vector.extract_strided_slice %get3A_1 {offsets = [0, 768], sizes = [256, 256], strides = [1, 1]} : vector<256x4096xf32> to vector<256x256xf32>
    %dot_general3A_16 = arith.constant dense<0.000000e+00> : vector<256x256xf32>
    %dot_general3A_17 = tpu.matmul %slice3A_15, %get3A_4, %dot_general3A_16 {dimension_numbers = #tpu.dot_dimension_numbers<[1], [0], [0], [1], [0, 0, 1, 1], [], []>, transpose_lhs_hint = false} : vector<256x256xf32>, vector<256x256xf32>, vector<256x256xf32> -> vector<256x256xf32>
    %slice3A_18 = vector.extract_strided_slice %get3A_1 {offsets = [0, 1024], sizes = [256, 256], strides = [1, 1]} : vector<256x4096xf32> to vector<256x256xf32>
    %dot_general3A_19 = arith.constant dense<0.000000e+00> : vector<256x256xf32>
    %dot_general3A_20 = tpu.matmul %slice3A_18, %get3A_4, %dot_general3A_19 {dimension_numbers = #tpu.dot_dimension_numbers<[1], [0], [0], [1], [0, 0, 1, 1], [], []>, transpose_lhs_hint = false} : vector<256x256xf32>, vector<256x256xf32>, vector<256x256xf32> -> vector<256x256xf32>
    %slice3A_21 = vector.extract_strided_slice %get3A_1 {offsets = [0, 1280], sizes = [256, 256], strides = [1, 1]} : vector<256x4096xf32> to vector<256x256xf32>
    %dot_general3A_22 = arith.constant dense<0.000000e+00> : vector<256x256xf32>
    %dot_general3A_23 = tpu.matmul %slice3A_21, %get3A_4, %dot_general3A_22 {dimension_numbers = #tpu.dot_dimension_numbers<[1], [0], [0], [1], [0, 0, 1, 1], [], []>, transpose_lhs_hint = false} : vector<256x256xf32>, vector<256x256xf32>, vector<256x256xf32> -> vector<256x256xf32>
    %slice3A_24 = vector.extract_strided_slice %get3A_1 {offsets = [0, 1536], sizes = [256, 256], strides = [1, 1]} : vector<256x4096xf32> to vector<256x256xf32>
    %dot_general3A_25 = arith.constant dense<0.000000e+00> : vector<256x256xf32>
    %dot_general3A_26 = tpu.matmul %slice3A_24, %get3A_4, %dot_general3A_25 {dimension_numbers = #tpu.dot_dimension_numbers<[1], [0], [0], [1], [0, 0, 1, 1], [], []>, transpose_lhs_hint = false} : vector<256x256xf32>, vector<256x256xf32>, vector<256x256xf32> -> vector<256x256xf32>
    %slice3A_27 = vector.extract_strided_slice %get3A_1 {offsets = [0, 1792], sizes = [256, 256], strides = [1, 1]} : vector<256x4096xf32> to vector<256x256xf32>
    %dot_general3A_28 = arith.constant dense<0.000000e+00> : vector<256x256xf32>
    %dot_general3A_29 = tpu.matmul %slice3A_27, %get3A_4, %dot_general3A_28 {dimension_numbers = #tpu.dot_dimension_numbers<[1], [0], [0], [1], [0, 0, 1, 1], [], []>, transpose_lhs_hint = false} : vector<256x256xf32>, vector<256x256xf32>, vector<256x256xf32> -> vector<256x256xf32>
    %slice3A_30 = vector.extract_strided_slice %get3A_1 {offsets = [0, 2048], sizes = [256, 256], strides = [1, 1]} : vector<256x4096xf32> to vector<256x256xf32>
    %dot_general3A_31 = arith.constant dense<0.000000e+00> : vector<256x256xf32>
    %dot_general3A_32 = tpu.matmul %slice3A_30, %get3A_4, %dot_general3A_31 {dimension_numbers = #tpu.dot_dimension_numbers<[1], [0], [0], [1], [0, 0, 1, 1], [], []>, transpose_lhs_hint = false} : vector<256x256xf32>, vector<256x256xf32>, vector<256x256xf32> -> vector<256x256xf32>
    %slice3A_33 = vector.extract_strided_slice %get3A_1 {offsets = [0, 2304], sizes = [256, 256], strides = [1, 1]} : vector<256x4096xf32> to vector<256x256xf32>
    %dot_general3A_34 = arith.constant dense<0.000000e+00> : vector<256x256xf32>
    %dot_general3A_35 = tpu.matmul %slice3A_33, %get3A_4, %dot_general3A_34 {dimension_numbers = #tpu.dot_dimension_numbers<[1], [0], [0], [1], [0, 0, 1, 1], [], []>, transpose_lhs_hint = false} : vector<256x256xf32>, vector<256x256xf32>, vector<256x256xf32> -> vector<256x256xf32>
    %slice3A_36 = vector.extract_strided_slice %get3A_1 {offsets = [0, 2560], sizes = [256, 256], strides = [1, 1]} : vector<256x4096xf32> to vector<256x256xf32>
    %dot_general3A_37 = arith.constant dense<0.000000e+00> : vector<256x256xf32>
    %dot_general3A_38 = tpu.matmul %slice3A_36, %get3A_4, %dot_general3A_37 {dimension_numbers = #tpu.dot_dimension_numbers<[1], [0], [0], [1], [0, 0, 1, 1], [], []>, transpose_lhs_hint = false} : vector<256x256xf32>, vector<256x256xf32>, vector<256x256xf32> -> vector<256x256xf32>
    %slice3A_39 = vector.extract_strided_slice %get3A_1 {offsets = [0, 2816], sizes = [256, 256], strides = [1, 1]} : vector<256x4096xf32> to vector<256x256xf32>
    %dot_general3A_40 = arith.constant dense<0.000000e+00> : vector<256x256xf32>
    %dot_general3A_41 = tpu.matmul %slice3A_39, %get3A_4, %dot_general3A_40 {dimension_numbers = #tpu.dot_dimension_numbers<[1], [0], [0], [1], [0, 0, 1, 1], [], []>, transpose_lhs_hint = false} : vector<256x256xf32>, vector<256x256xf32>, vector<256x256xf32> -> vector<256x256xf32>
    %slice3A_42 = vector.extract_strided_slice %get3A_1 {offsets = [0, 3072], sizes = [256, 256], strides = [1, 1]} : vector<256x4096xf32> to vector<256x256xf32>
    %dot_general3A_43 = arith.constant dense<0.000000e+00> : vector<256x256xf32>
    %dot_general3A_44 = tpu.matmul %slice3A_42, %get3A_4, %dot_general3A_43 {dimension_numbers = #tpu.dot_dimension_numbers<[1], [0], [0], [1], [0, 0, 1, 1], [], []>, transpose_lhs_hint = false} : vector<256x256xf32>, vector<256x256xf32>, vector<256x256xf32> -> vector<256x256xf32>
    %slice3A_45 = vector.extract_strided_slice %get3A_1 {offsets = [0, 3328], sizes = [256, 256], strides = [1, 1]} : vector<256x4096xf32> to vector<256x256xf32>
    %dot_general3A_46 = arith.constant dense<0.000000e+00> : vector<256x256xf32>
    %dot_general3A_47 = tpu.matmul %slice3A_45, %get3A_4, %dot_general3A_46 {dimension_numbers = #tpu.dot_dimension_numbers<[1], [0], [0], [1], [0, 0, 1, 1], [], []>, transpose_lhs_hint = false} : vector<256x256xf32>, vector<256x256xf32>, vector<256x256xf32> -> vector<256x256xf32>
    %slice3A_48 = vector.extract_strided_slice %get3A_1 {offsets = [0, 3584], sizes = [256, 256], strides = [1, 1]} : vector<256x4096xf32> to vector<256x256xf32>
    %dot_general3A_49 = arith.constant dense<0.000000e+00> : vector<256x256xf32>
    %dot_general3A_50 = tpu.matmul %slice3A_48, %get3A_4, %dot_general3A_49 {dimension_numbers = #tpu.dot_dimension_numbers<[1], [0], [0], [1], [0, 0, 1, 1], [], []>, transpose_lhs_hint = false} : vector<256x256xf32>, vector<256x256xf32>, vector<256x256xf32> -> vector<256x256xf32>
    %slice3A_51 = vector.extract_strided_slice %get3A_1 {offsets = [0, 3840], sizes = [256, 256], strides = [1, 1]} : vector<256x4096xf32> to vector<256x256xf32>
    %dot_general3A_52 = arith.constant dense<0.000000e+00> : vector<256x256xf32>
    %dot_general3A_53 = tpu.matmul %slice3A_51, %get3A_4, %dot_general3A_52 {dimension_numbers = #tpu.dot_dimension_numbers<[1], [0], [0], [1], [0, 0, 1, 1], [], []>, transpose_lhs_hint = false} : vector<256x256xf32>, vector<256x256xf32>, vector<256x256xf32> -> vector<256x256xf32>
    %slice3A_54 = vector.extract_strided_slice %get3A_1 {offsets = [0, 0], sizes = [256, 256], strides = [1, 1]} : vector<256x4096xf32> to vector<256x256xf32>
    %mul3A = arith.mulf %slice3A_54, %slice3A_54 : vector<256x256xf32>
    %reduce_sum3A = arith.constant dense<0.000000e+00> : vector<256xf32>
    %reduce_sum3A_55 = vector.multi_reduction <add>, %mul3A, %reduce_sum3A [1] : vector<256x256xf32> to vector<256xf32>
    %broadcast_in_dim3A = vector.shape_cast %reduce_sum3A_55 : vector<256xf32> to vector<256x1xf32>
    %mul3A_56 = arith.constant 2.000000e+00 : f32
    %mul3A_57 = vector.broadcast %mul3A_56 : f32 to vector<256x256xf32>
    %mul3A_58 = arith.mulf %mul3A_57, %dot_general3A_8 : vector<256x256xf32>
    %sub3A = vector.broadcast %broadcast_in_dim3A : vector<256x1xf32> to vector<256x256xf32>
    %sub3A_59 = arith.subf %sub3A, %mul3A_58 : vector<256x256xf32>
    %add3A = vector.broadcast %get3A_7 : vector<1x256xf32> to vector<256x256xf32>
    %add3A_60 = arith.addf %sub3A_59, %add3A : vector<256x256xf32>
    %reduce_min3A = arith.constant dense<0x7F800000> : vector<256xf32>
    %reduce_min3A_61 = vector.multi_reduction <minimumf>, %add3A_60, %reduce_min3A [1] : vector<256x256xf32> to vector<256xf32>
    %broadcast_in_dim3A_62 = vector.shape_cast %reduce_min3A_61 : vector<256xf32> to vector<256x1xf32>
    %eq3A = vector.broadcast %broadcast_in_dim3A_62 : vector<256x1xf32> to vector<256x256xf32>
    %eq3A_63 = arith.cmpf oeq, %add3A_60, %eq3A : vector<256x256xf32>
    %jit3A = arith.constant 256 : i32
    %broadcast_in_dim3A_64 = vector.broadcast %jit3A : i32 to vector<256x256xi32>
    %select_n3A = arith.select %eq3A_63, %iota3A, %broadcast_in_dim3A_64 : vector<256x256xi1>, vector<256x256xi32>
    %reduce_min3A_65 = arith.constant dense<2147483647> : vector<256xi32>
    %reduce_min3A_66 = vector.multi_reduction <minsi>, %select_n3A, %reduce_min3A_65 [1] : vector<256x256xi32> to vector<256xi32>
    %broadcast_in_dim3A_67 = vector.shape_cast %reduce_min3A_66 : vector<256xi32> to vector<256x1xi32>
    %eq3A_68 = vector.broadcast %broadcast_in_dim3A_67 : vector<256x1xi32> to vector<256x256xi32>
    %eq3A_69 = arith.cmpi eq, %iota3A, %eq3A_68 : vector<256x256xi32>
    %convert_element_type3A = arith.extui %eq3A_69 : vector<256x256xi1> to vector<256x256xi32>
    %convert_element_type3A_70 = arith.sitofp %convert_element_type3A : vector<256x256xi32> to vector<256x256xf32>
    %slice3A_71 = vector.extract_strided_slice %get3A_1 {offsets = [0, 256], sizes = [256, 256], strides = [1, 1]} : vector<256x4096xf32> to vector<256x256xf32>
    %mul3A_72 = arith.mulf %slice3A_71, %slice3A_71 : vector<256x256xf32>
    %reduce_sum3A_73 = arith.constant dense<0.000000e+00> : vector<256xf32>
    %reduce_sum3A_74 = vector.multi_reduction <add>, %mul3A_72, %reduce_sum3A_73 [1] : vector<256x256xf32> to vector<256xf32>
    %broadcast_in_dim3A_75 = vector.shape_cast %reduce_sum3A_74 : vector<256xf32> to vector<256x1xf32>
    %mul3A_76 = arith.constant 2.000000e+00 : f32
    %mul3A_77 = vector.broadcast %mul3A_76 : f32 to vector<256x256xf32>
    %mul3A_78 = arith.mulf %mul3A_77, %dot_general3A_11 : vector<256x256xf32>
    %sub3A_79 = vector.broadcast %broadcast_in_dim3A_75 : vector<256x1xf32> to vector<256x256xf32>
    %sub3A_80 = arith.subf %sub3A_79, %mul3A_78 : vector<256x256xf32>
    %add3A_81 = vector.broadcast %get3A_7 : vector<1x256xf32> to vector<256x256xf32>
    %add3A_82 = arith.addf %sub3A_80, %add3A_81 : vector<256x256xf32>
    %reduce_min3A_83 = arith.constant dense<0x7F800000> : vector<256xf32>
    %reduce_min3A_84 = vector.multi_reduction <minimumf>, %add3A_82, %reduce_min3A_83 [1] : vector<256x256xf32> to vector<256xf32>
    %broadcast_in_dim3A_85 = vector.shape_cast %reduce_min3A_84 : vector<256xf32> to vector<256x1xf32>
    %eq3A_86 = vector.broadcast %broadcast_in_dim3A_85 : vector<256x1xf32> to vector<256x256xf32>
    %eq3A_87 = arith.cmpf oeq, %add3A_82, %eq3A_86 : vector<256x256xf32>
    %jit3A_88 = arith.constant 256 : i32
    %broadcast_in_dim3A_89 = vector.broadcast %jit3A_88 : i32 to vector<256x256xi32>
    %select_n3A_90 = arith.select %eq3A_87, %iota3A, %broadcast_in_dim3A_89 : vector<256x256xi1>, vector<256x256xi32>
    %reduce_min3A_91 = arith.constant dense<2147483647> : vector<256xi32>
    %reduce_min3A_92 = vector.multi_reduction <minsi>, %select_n3A_90, %reduce_min3A_91 [1] : vector<256x256xi32> to vector<256xi32>
    %broadcast_in_dim3A_93 = vector.shape_cast %reduce_min3A_92 : vector<256xi32> to vector<256x1xi32>
    %eq3A_94 = vector.broadcast %broadcast_in_dim3A_93 : vector<256x1xi32> to vector<256x256xi32>
    %eq3A_95 = arith.cmpi eq, %iota3A, %eq3A_94 : vector<256x256xi32>
    %convert_element_type3A_96 = arith.extui %eq3A_95 : vector<256x256xi1> to vector<256x256xi32>
    %convert_element_type3A_97 = arith.sitofp %convert_element_type3A_96 : vector<256x256xi32> to vector<256x256xf32>
    %slice3A_98 = vector.extract_strided_slice %get3A_1 {offsets = [0, 512], sizes = [256, 256], strides = [1, 1]} : vector<256x4096xf32> to vector<256x256xf32>
    %mul3A_99 = arith.mulf %slice3A_98, %slice3A_98 : vector<256x256xf32>
    %reduce_sum3A_100 = arith.constant dense<0.000000e+00> : vector<256xf32>
    %reduce_sum3A_101 = vector.multi_reduction <add>, %mul3A_99, %reduce_sum3A_100 [1] : vector<256x256xf32> to vector<256xf32>
    %broadcast_in_dim3A_102 = vector.shape_cast %reduce_sum3A_101 : vector<256xf32> to vector<256x1xf32>
    %mul3A_103 = arith.constant 2.000000e+00 : f32
    %mul3A_104 = vector.broadcast %mul3A_103 : f32 to vector<256x256xf32>
    %mul3A_105 = arith.mulf %mul3A_104, %dot_general3A_14 : vector<256x256xf32>
    %sub3A_106 = vector.broadcast %broadcast_in_dim3A_102 : vector<256x1xf32> to vector<256x256xf32>
    %sub3A_107 = arith.subf %sub3A_106, %mul3A_105 : vector<256x256xf32>
    %add3A_108 = vector.broadcast %get3A_7 : vector<1x256xf32> to vector<256x256xf32>
    %add3A_109 = arith.addf %sub3A_107, %add3A_108 : vector<256x256xf32>
    %reduce_min3A_110 = arith.constant dense<0x7F800000> : vector<256xf32>
    %reduce_min3A_111 = vector.multi_reduction <minimumf>, %add3A_109, %reduce_min3A_110 [1] : vector<256x256xf32> to vector<256xf32>
    %broadcast_in_dim3A_112 = vector.shape_cast %reduce_min3A_111 : vector<256xf32> to vector<256x1xf32>
    %eq3A_113 = vector.broadcast %broadcast_in_dim3A_112 : vector<256x1xf32> to vector<256x256xf32>
    %eq3A_114 = arith.cmpf oeq, %add3A_109, %eq3A_113 : vector<256x256xf32>
    %jit3A_115 = arith.constant 256 : i32
    %broadcast_in_dim3A_116 = vector.broadcast %jit3A_115 : i32 to vector<256x256xi32>
    %select_n3A_117 = arith.select %eq3A_114, %iota3A, %broadcast_in_dim3A_116 : vector<256x256xi1>, vector<256x256xi32>
    %reduce_min3A_118 = arith.constant dense<2147483647> : vector<256xi32>
    %reduce_min3A_119 = vector.multi_reduction <minsi>, %select_n3A_117, %reduce_min3A_118 [1] : vector<256x256xi32> to vector<256xi32>
    %broadcast_in_dim3A_120 = vector.shape_cast %reduce_min3A_119 : vector<256xi32> to vector<256x1xi32>
    %eq3A_121 = vector.broadcast %broadcast_in_dim3A_120 : vector<256x1xi32> to vector<256x256xi32>
    %eq3A_122 = arith.cmpi eq, %iota3A, %eq3A_121 : vector<256x256xi32>
    %convert_element_type3A_123 = arith.extui %eq3A_122 : vector<256x256xi1> to vector<256x256xi32>
    %convert_element_type3A_124 = arith.sitofp %convert_element_type3A_123 : vector<256x256xi32> to vector<256x256xf32>
    %slice3A_125 = vector.extract_strided_slice %get3A_1 {offsets = [0, 768], sizes = [256, 256], strides = [1, 1]} : vector<256x4096xf32> to vector<256x256xf32>
    %mul3A_126 = arith.mulf %slice3A_125, %slice3A_125 : vector<256x256xf32>
    %reduce_sum3A_127 = arith.constant dense<0.000000e+00> : vector<256xf32>
    %reduce_sum3A_128 = vector.multi_reduction <add>, %mul3A_126, %reduce_sum3A_127 [1] : vector<256x256xf32> to vector<256xf32>
    %broadcast_in_dim3A_129 = vector.shape_cast %reduce_sum3A_128 : vector<256xf32> to vector<256x1xf32>
    %mul3A_130 = arith.constant 2.000000e+00 : f32
    %mul3A_131 = vector.broadcast %mul3A_130 : f32 to vector<256x256xf32>
    %mul3A_132 = arith.mulf %mul3A_131, %dot_general3A_17 : vector<256x256xf32>
    %sub3A_133 = vector.broadcast %broadcast_in_dim3A_129 : vector<256x1xf32> to vector<256x256xf32>
    %sub3A_134 = arith.subf %sub3A_133, %mul3A_132 : vector<256x256xf32>
    %add3A_135 = vector.broadcast %get3A_7 : vector<1x256xf32> to vector<256x256xf32>
    %add3A_136 = arith.addf %sub3A_134, %add3A_135 : vector<256x256xf32>
    %reduce_min3A_137 = arith.constant dense<0x7F800000> : vector<256xf32>
    %reduce_min3A_138 = vector.multi_reduction <minimumf>, %add3A_136, %reduce_min3A_137 [1] : vector<256x256xf32> to vector<256xf32>
    %broadcast_in_dim3A_139 = vector.shape_cast %reduce_min3A_138 : vector<256xf32> to vector<256x1xf32>
    %eq3A_140 = vector.broadcast %broadcast_in_dim3A_139 : vector<256x1xf32> to vector<256x256xf32>
    %eq3A_141 = arith.cmpf oeq, %add3A_136, %eq3A_140 : vector<256x256xf32>
    %jit3A_142 = arith.constant 256 : i32
    %broadcast_in_dim3A_143 = vector.broadcast %jit3A_142 : i32 to vector<256x256xi32>
    %select_n3A_144 = arith.select %eq3A_141, %iota3A, %broadcast_in_dim3A_143 : vector<256x256xi1>, vector<256x256xi32>
    %reduce_min3A_145 = arith.constant dense<2147483647> : vector<256xi32>
    %reduce_min3A_146 = vector.multi_reduction <minsi>, %select_n3A_144, %reduce_min3A_145 [1] : vector<256x256xi32> to vector<256xi32>
    %broadcast_in_dim3A_147 = vector.shape_cast %reduce_min3A_146 : vector<256xi32> to vector<256x1xi32>
    %eq3A_148 = vector.broadcast %broadcast_in_dim3A_147 : vector<256x1xi32> to vector<256x256xi32>
    %eq3A_149 = arith.cmpi eq, %iota3A, %eq3A_148 : vector<256x256xi32>
    %convert_element_type3A_150 = arith.extui %eq3A_149 : vector<256x256xi1> to vector<256x256xi32>
    %convert_element_type3A_151 = arith.sitofp %convert_element_type3A_150 : vector<256x256xi32> to vector<256x256xf32>
    %slice3A_152 = vector.extract_strided_slice %get3A_1 {offsets = [0, 1024], sizes = [256, 256], strides = [1, 1]} : vector<256x4096xf32> to vector<256x256xf32>
    %mul3A_153 = arith.mulf %slice3A_152, %slice3A_152 : vector<256x256xf32>
    %reduce_sum3A_154 = arith.constant dense<0.000000e+00> : vector<256xf32>
    %reduce_sum3A_155 = vector.multi_reduction <add>, %mul3A_153, %reduce_sum3A_154 [1] : vector<256x256xf32> to vector<256xf32>
    %broadcast_in_dim3A_156 = vector.shape_cast %reduce_sum3A_155 : vector<256xf32> to vector<256x1xf32>
    %mul3A_157 = arith.constant 2.000000e+00 : f32
    %mul3A_158 = vector.broadcast %mul3A_157 : f32 to vector<256x256xf32>
    %mul3A_159 = arith.mulf %mul3A_158, %dot_general3A_20 : vector<256x256xf32>
    %sub3A_160 = vector.broadcast %broadcast_in_dim3A_156 : vector<256x1xf32> to vector<256x256xf32>
    %sub3A_161 = arith.subf %sub3A_160, %mul3A_159 : vector<256x256xf32>
    %add3A_162 = vector.broadcast %get3A_7 : vector<1x256xf32> to vector<256x256xf32>
    %add3A_163 = arith.addf %sub3A_161, %add3A_162 : vector<256x256xf32>
    %reduce_min3A_164 = arith.constant dense<0x7F800000> : vector<256xf32>
    %reduce_min3A_165 = vector.multi_reduction <minimumf>, %add3A_163, %reduce_min3A_164 [1] : vector<256x256xf32> to vector<256xf32>
    %broadcast_in_dim3A_166 = vector.shape_cast %reduce_min3A_165 : vector<256xf32> to vector<256x1xf32>
    %eq3A_167 = vector.broadcast %broadcast_in_dim3A_166 : vector<256x1xf32> to vector<256x256xf32>
    %eq3A_168 = arith.cmpf oeq, %add3A_163, %eq3A_167 : vector<256x256xf32>
    %jit3A_169 = arith.constant 256 : i32
    %broadcast_in_dim3A_170 = vector.broadcast %jit3A_169 : i32 to vector<256x256xi32>
    %select_n3A_171 = arith.select %eq3A_168, %iota3A, %broadcast_in_dim3A_170 : vector<256x256xi1>, vector<256x256xi32>
    %reduce_min3A_172 = arith.constant dense<2147483647> : vector<256xi32>
    %reduce_min3A_173 = vector.multi_reduction <minsi>, %select_n3A_171, %reduce_min3A_172 [1] : vector<256x256xi32> to vector<256xi32>
    %broadcast_in_dim3A_174 = vector.shape_cast %reduce_min3A_173 : vector<256xi32> to vector<256x1xi32>
    %eq3A_175 = vector.broadcast %broadcast_in_dim3A_174 : vector<256x1xi32> to vector<256x256xi32>
    %eq3A_176 = arith.cmpi eq, %iota3A, %eq3A_175 : vector<256x256xi32>
    %convert_element_type3A_177 = arith.extui %eq3A_176 : vector<256x256xi1> to vector<256x256xi32>
    %convert_element_type3A_178 = arith.sitofp %convert_element_type3A_177 : vector<256x256xi32> to vector<256x256xf32>
    %slice3A_179 = vector.extract_strided_slice %get3A_1 {offsets = [0, 1280], sizes = [256, 256], strides = [1, 1]} : vector<256x4096xf32> to vector<256x256xf32>
    %mul3A_180 = arith.mulf %slice3A_179, %slice3A_179 : vector<256x256xf32>
    %reduce_sum3A_181 = arith.constant dense<0.000000e+00> : vector<256xf32>
    %reduce_sum3A_182 = vector.multi_reduction <add>, %mul3A_180, %reduce_sum3A_181 [1] : vector<256x256xf32> to vector<256xf32>
    %broadcast_in_dim3A_183 = vector.shape_cast %reduce_sum3A_182 : vector<256xf32> to vector<256x1xf32>
    %mul3A_184 = arith.constant 2.000000e+00 : f32
    %mul3A_185 = vector.broadcast %mul3A_184 : f32 to vector<256x256xf32>
    %mul3A_186 = arith.mulf %mul3A_185, %dot_general3A_23 : vector<256x256xf32>
    %sub3A_187 = vector.broadcast %broadcast_in_dim3A_183 : vector<256x1xf32> to vector<256x256xf32>
    %sub3A_188 = arith.subf %sub3A_187, %mul3A_186 : vector<256x256xf32>
    %add3A_189 = vector.broadcast %get3A_7 : vector<1x256xf32> to vector<256x256xf32>
    %add3A_190 = arith.addf %sub3A_188, %add3A_189 : vector<256x256xf32>
    %reduce_min3A_191 = arith.constant dense<0x7F800000> : vector<256xf32>
    %reduce_min3A_192 = vector.multi_reduction <minimumf>, %add3A_190, %reduce_min3A_191 [1] : vector<256x256xf32> to vector<256xf32>
    %broadcast_in_dim3A_193 = vector.shape_cast %reduce_min3A_192 : vector<256xf32> to vector<256x1xf32>
    %eq3A_194 = vector.broadcast %broadcast_in_dim3A_193 : vector<256x1xf32> to vector<256x256xf32>
    %eq3A_195 = arith.cmpf oeq, %add3A_190, %eq3A_194 : vector<256x256xf32>
    %jit3A_196 = arith.constant 256 : i32
    %broadcast_in_dim3A_197 = vector.broadcast %jit3A_196 : i32 to vector<256x256xi32>
    %select_n3A_198 = arith.select %eq3A_195, %iota3A, %broadcast_in_dim3A_197 : vector<256x256xi1>, vector<256x256xi32>
    %reduce_min3A_199 = arith.constant dense<2147483647> : vector<256xi32>
    %reduce_min3A_200 = vector.multi_reduction <minsi>, %select_n3A_198, %reduce_min3A_199 [1] : vector<256x256xi32> to vector<256xi32>
    %broadcast_in_dim3A_201 = vector.shape_cast %reduce_min3A_200 : vector<256xi32> to vector<256x1xi32>
    %eq3A_202 = vector.broadcast %broadcast_in_dim3A_201 : vector<256x1xi32> to vector<256x256xi32>
    %eq3A_203 = arith.cmpi eq, %iota3A, %eq3A_202 : vector<256x256xi32>
    %convert_element_type3A_204 = arith.extui %eq3A_203 : vector<256x256xi1> to vector<256x256xi32>
    %convert_element_type3A_205 = arith.sitofp %convert_element_type3A_204 : vector<256x256xi32> to vector<256x256xf32>
    %slice3A_206 = vector.extract_strided_slice %get3A_1 {offsets = [0, 1536], sizes = [256, 256], strides = [1, 1]} : vector<256x4096xf32> to vector<256x256xf32>
    %mul3A_207 = arith.mulf %slice3A_206, %slice3A_206 : vector<256x256xf32>
    %reduce_sum3A_208 = arith.constant dense<0.000000e+00> : vector<256xf32>
    %reduce_sum3A_209 = vector.multi_reduction <add>, %mul3A_207, %reduce_sum3A_208 [1] : vector<256x256xf32> to vector<256xf32>
    %broadcast_in_dim3A_210 = vector.shape_cast %reduce_sum3A_209 : vector<256xf32> to vector<256x1xf32>
    %mul3A_211 = arith.constant 2.000000e+00 : f32
    %mul3A_212 = vector.broadcast %mul3A_211 : f32 to vector<256x256xf32>
    %mul3A_213 = arith.mulf %mul3A_212, %dot_general3A_26 : vector<256x256xf32>
    %sub3A_214 = vector.broadcast %broadcast_in_dim3A_210 : vector<256x1xf32> to vector<256x256xf32>
    %sub3A_215 = arith.subf %sub3A_214, %mul3A_213 : vector<256x256xf32>
    %add3A_216 = vector.broadcast %get3A_7 : vector<1x256xf32> to vector<256x256xf32>
    %add3A_217 = arith.addf %sub3A_215, %add3A_216 : vector<256x256xf32>
    %reduce_min3A_218 = arith.constant dense<0x7F800000> : vector<256xf32>
    %reduce_min3A_219 = vector.multi_reduction <minimumf>, %add3A_217, %reduce_min3A_218 [1] : vector<256x256xf32> to vector<256xf32>
    %broadcast_in_dim3A_220 = vector.shape_cast %reduce_min3A_219 : vector<256xf32> to vector<256x1xf32>
    %eq3A_221 = vector.broadcast %broadcast_in_dim3A_220 : vector<256x1xf32> to vector<256x256xf32>
    %eq3A_222 = arith.cmpf oeq, %add3A_217, %eq3A_221 : vector<256x256xf32>
    %jit3A_223 = arith.constant 256 : i32
    %broadcast_in_dim3A_224 = vector.broadcast %jit3A_223 : i32 to vector<256x256xi32>
    %select_n3A_225 = arith.select %eq3A_222, %iota3A, %broadcast_in_dim3A_224 : vector<256x256xi1>, vector<256x256xi32>
    %reduce_min3A_226 = arith.constant dense<2147483647> : vector<256xi32>
    %reduce_min3A_227 = vector.multi_reduction <minsi>, %select_n3A_225, %reduce_min3A_226 [1] : vector<256x256xi32> to vector<256xi32>
    %broadcast_in_dim3A_228 = vector.shape_cast %reduce_min3A_227 : vector<256xi32> to vector<256x1xi32>
    %eq3A_229 = vector.broadcast %broadcast_in_dim3A_228 : vector<256x1xi32> to vector<256x256xi32>
    %eq3A_230 = arith.cmpi eq, %iota3A, %eq3A_229 : vector<256x256xi32>
    %convert_element_type3A_231 = arith.extui %eq3A_230 : vector<256x256xi1> to vector<256x256xi32>
    %convert_element_type3A_232 = arith.sitofp %convert_element_type3A_231 : vector<256x256xi32> to vector<256x256xf32>
    %slice3A_233 = vector.extract_strided_slice %get3A_1 {offsets = [0, 1792], sizes = [256, 256], strides = [1, 1]} : vector<256x4096xf32> to vector<256x256xf32>
    %mul3A_234 = arith.mulf %slice3A_233, %slice3A_233 : vector<256x256xf32>
    %reduce_sum3A_235 = arith.constant dense<0.000000e+00> : vector<256xf32>
    %reduce_sum3A_236 = vector.multi_reduction <add>, %mul3A_234, %reduce_sum3A_235 [1] : vector<256x256xf32> to vector<256xf32>
    %broadcast_in_dim3A_237 = vector.shape_cast %reduce_sum3A_236 : vector<256xf32> to vector<256x1xf32>
    %mul3A_238 = arith.constant 2.000000e+00 : f32
    %mul3A_239 = vector.broadcast %mul3A_238 : f32 to vector<256x256xf32>
    %mul3A_240 = arith.mulf %mul3A_239, %dot_general3A_29 : vector<256x256xf32>
    %sub3A_241 = vector.broadcast %broadcast_in_dim3A_237 : vector<256x1xf32> to vector<256x256xf32>
    %sub3A_242 = arith.subf %sub3A_241, %mul3A_240 : vector<256x256xf32>
    %add3A_243 = vector.broadcast %get3A_7 : vector<1x256xf32> to vector<256x256xf32>
    %add3A_244 = arith.addf %sub3A_242, %add3A_243 : vector<256x256xf32>
    %reduce_min3A_245 = arith.constant dense<0x7F800000> : vector<256xf32>
    %reduce_min3A_246 = vector.multi_reduction <minimumf>, %add3A_244, %reduce_min3A_245 [1] : vector<256x256xf32> to vector<256xf32>
    %broadcast_in_dim3A_247 = vector.shape_cast %reduce_min3A_246 : vector<256xf32> to vector<256x1xf32>
    %eq3A_248 = vector.broadcast %broadcast_in_dim3A_247 : vector<256x1xf32> to vector<256x256xf32>
    %eq3A_249 = arith.cmpf oeq, %add3A_244, %eq3A_248 : vector<256x256xf32>
    %jit3A_250 = arith.constant 256 : i32
    %broadcast_in_dim3A_251 = vector.broadcast %jit3A_250 : i32 to vector<256x256xi32>
    %select_n3A_252 = arith.select %eq3A_249, %iota3A, %broadcast_in_dim3A_251 : vector<256x256xi1>, vector<256x256xi32>
    %reduce_min3A_253 = arith.constant dense<2147483647> : vector<256xi32>
    %reduce_min3A_254 = vector.multi_reduction <minsi>, %select_n3A_252, %reduce_min3A_253 [1] : vector<256x256xi32> to vector<256xi32>
    %broadcast_in_dim3A_255 = vector.shape_cast %reduce_min3A_254 : vector<256xi32> to vector<256x1xi32>
    %eq3A_256 = vector.broadcast %broadcast_in_dim3A_255 : vector<256x1xi32> to vector<256x256xi32>
    %eq3A_257 = arith.cmpi eq, %iota3A, %eq3A_256 : vector<256x256xi32>
    %convert_element_type3A_258 = arith.extui %eq3A_257 : vector<256x256xi1> to vector<256x256xi32>
    %convert_element_type3A_259 = arith.sitofp %convert_element_type3A_258 : vector<256x256xi32> to vector<256x256xf32>
    %slice3A_260 = vector.extract_strided_slice %get3A_1 {offsets = [0, 2048], sizes = [256, 256], strides = [1, 1]} : vector<256x4096xf32> to vector<256x256xf32>
    %mul3A_261 = arith.mulf %slice3A_260, %slice3A_260 : vector<256x256xf32>
    %reduce_sum3A_262 = arith.constant dense<0.000000e+00> : vector<256xf32>
    %reduce_sum3A_263 = vector.multi_reduction <add>, %mul3A_261, %reduce_sum3A_262 [1] : vector<256x256xf32> to vector<256xf32>
    %broadcast_in_dim3A_264 = vector.shape_cast %reduce_sum3A_263 : vector<256xf32> to vector<256x1xf32>
    %mul3A_265 = arith.constant 2.000000e+00 : f32
    %mul3A_266 = vector.broadcast %mul3A_265 : f32 to vector<256x256xf32>
    %mul3A_267 = arith.mulf %mul3A_266, %dot_general3A_32 : vector<256x256xf32>
    %sub3A_268 = vector.broadcast %broadcast_in_dim3A_264 : vector<256x1xf32> to vector<256x256xf32>
    %sub3A_269 = arith.subf %sub3A_268, %mul3A_267 : vector<256x256xf32>
    %add3A_270 = vector.broadcast %get3A_7 : vector<1x256xf32> to vector<256x256xf32>
    %add3A_271 = arith.addf %sub3A_269, %add3A_270 : vector<256x256xf32>
    %reduce_min3A_272 = arith.constant dense<0x7F800000> : vector<256xf32>
    %reduce_min3A_273 = vector.multi_reduction <minimumf>, %add3A_271, %reduce_min3A_272 [1] : vector<256x256xf32> to vector<256xf32>
    %broadcast_in_dim3A_274 = vector.shape_cast %reduce_min3A_273 : vector<256xf32> to vector<256x1xf32>
    %eq3A_275 = vector.broadcast %broadcast_in_dim3A_274 : vector<256x1xf32> to vector<256x256xf32>
    %eq3A_276 = arith.cmpf oeq, %add3A_271, %eq3A_275 : vector<256x256xf32>
    %jit3A_277 = arith.constant 256 : i32
    %broadcast_in_dim3A_278 = vector.broadcast %jit3A_277 : i32 to vector<256x256xi32>
    %select_n3A_279 = arith.select %eq3A_276, %iota3A, %broadcast_in_dim3A_278 : vector<256x256xi1>, vector<256x256xi32>
    %reduce_min3A_280 = arith.constant dense<2147483647> : vector<256xi32>
    %reduce_min3A_281 = vector.multi_reduction <minsi>, %select_n3A_279, %reduce_min3A_280 [1] : vector<256x256xi32> to vector<256xi32>
    %broadcast_in_dim3A_282 = vector.shape_cast %reduce_min3A_281 : vector<256xi32> to vector<256x1xi32>
    %eq3A_283 = vector.broadcast %broadcast_in_dim3A_282 : vector<256x1xi32> to vector<256x256xi32>
    %eq3A_284 = arith.cmpi eq, %iota3A, %eq3A_283 : vector<256x256xi32>
    %convert_element_type3A_285 = arith.extui %eq3A_284 : vector<256x256xi1> to vector<256x256xi32>
    %convert_element_type3A_286 = arith.sitofp %convert_element_type3A_285 : vector<256x256xi32> to vector<256x256xf32>
    %slice3A_287 = vector.extract_strided_slice %get3A_1 {offsets = [0, 2304], sizes = [256, 256], strides = [1, 1]} : vector<256x4096xf32> to vector<256x256xf32>
    %mul3A_288 = arith.mulf %slice3A_287, %slice3A_287 : vector<256x256xf32>
    %reduce_sum3A_289 = arith.constant dense<0.000000e+00> : vector<256xf32>
    %reduce_sum3A_290 = vector.multi_reduction <add>, %mul3A_288, %reduce_sum3A_289 [1] : vector<256x256xf32> to vector<256xf32>
    %broadcast_in_dim3A_291 = vector.shape_cast %reduce_sum3A_290 : vector<256xf32> to vector<256x1xf32>
    %mul3A_292 = arith.constant 2.000000e+00 : f32
    %mul3A_293 = vector.broadcast %mul3A_292 : f32 to vector<256x256xf32>
    %mul3A_294 = arith.mulf %mul3A_293, %dot_general3A_35 : vector<256x256xf32>
    %sub3A_295 = vector.broadcast %broadcast_in_dim3A_291 : vector<256x1xf32> to vector<256x256xf32>
    %sub3A_296 = arith.subf %sub3A_295, %mul3A_294 : vector<256x256xf32>
    %add3A_297 = vector.broadcast %get3A_7 : vector<1x256xf32> to vector<256x256xf32>
    %add3A_298 = arith.addf %sub3A_296, %add3A_297 : vector<256x256xf32>
    %reduce_min3A_299 = arith.constant dense<0x7F800000> : vector<256xf32>
    %reduce_min3A_300 = vector.multi_reduction <minimumf>, %add3A_298, %reduce_min3A_299 [1] : vector<256x256xf32> to vector<256xf32>
    %broadcast_in_dim3A_301 = vector.shape_cast %reduce_min3A_300 : vector<256xf32> to vector<256x1xf32>
    %eq3A_302 = vector.broadcast %broadcast_in_dim3A_301 : vector<256x1xf32> to vector<256x256xf32>
    %eq3A_303 = arith.cmpf oeq, %add3A_298, %eq3A_302 : vector<256x256xf32>
    %jit3A_304 = arith.constant 256 : i32
    %broadcast_in_dim3A_305 = vector.broadcast %jit3A_304 : i32 to vector<256x256xi32>
    %select_n3A_306 = arith.select %eq3A_303, %iota3A, %broadcast_in_dim3A_305 : vector<256x256xi1>, vector<256x256xi32>
    %reduce_min3A_307 = arith.constant dense<2147483647> : vector<256xi32>
    %reduce_min3A_308 = vector.multi_reduction <minsi>, %select_n3A_306, %reduce_min3A_307 [1] : vector<256x256xi32> to vector<256xi32>
    %broadcast_in_dim3A_309 = vector.shape_cast %reduce_min3A_308 : vector<256xi32> to vector<256x1xi32>
    %eq3A_310 = vector.broadcast %broadcast_in_dim3A_309 : vector<256x1xi32> to vector<256x256xi32>
    %eq3A_311 = arith.cmpi eq, %iota3A, %eq3A_310 : vector<256x256xi32>
    %convert_element_type3A_312 = arith.extui %eq3A_311 : vector<256x256xi1> to vector<256x256xi32>
    %convert_element_type3A_313 = arith.sitofp %convert_element_type3A_312 : vector<256x256xi32> to vector<256x256xf32>
    %slice3A_314 = vector.extract_strided_slice %get3A_1 {offsets = [0, 2560], sizes = [256, 256], strides = [1, 1]} : vector<256x4096xf32> to vector<256x256xf32>
    %mul3A_315 = arith.mulf %slice3A_314, %slice3A_314 : vector<256x256xf32>
    %reduce_sum3A_316 = arith.constant dense<0.000000e+00> : vector<256xf32>
    %reduce_sum3A_317 = vector.multi_reduction <add>, %mul3A_315, %reduce_sum3A_316 [1] : vector<256x256xf32> to vector<256xf32>
    %broadcast_in_dim3A_318 = vector.shape_cast %reduce_sum3A_317 : vector<256xf32> to vector<256x1xf32>
    %mul3A_319 = arith.constant 2.000000e+00 : f32
    %mul3A_320 = vector.broadcast %mul3A_319 : f32 to vector<256x256xf32>
    %mul3A_321 = arith.mulf %mul3A_320, %dot_general3A_38 : vector<256x256xf32>
    %sub3A_322 = vector.broadcast %broadcast_in_dim3A_318 : vector<256x1xf32> to vector<256x256xf32>
    %sub3A_323 = arith.subf %sub3A_322, %mul3A_321 : vector<256x256xf32>
    %add3A_324 = vector.broadcast %get3A_7 : vector<1x256xf32> to vector<256x256xf32>
    %add3A_325 = arith.addf %sub3A_323, %add3A_324 : vector<256x256xf32>
    %reduce_min3A_326 = arith.constant dense<0x7F800000> : vector<256xf32>
    %reduce_min3A_327 = vector.multi_reduction <minimumf>, %add3A_325, %reduce_min3A_326 [1] : vector<256x256xf32> to vector<256xf32>
    %broadcast_in_dim3A_328 = vector.shape_cast %reduce_min3A_327 : vector<256xf32> to vector<256x1xf32>
    %eq3A_329 = vector.broadcast %broadcast_in_dim3A_328 : vector<256x1xf32> to vector<256x256xf32>
    %eq3A_330 = arith.cmpf oeq, %add3A_325, %eq3A_329 : vector<256x256xf32>
    %jit3A_331 = arith.constant 256 : i32
    %broadcast_in_dim3A_332 = vector.broadcast %jit3A_331 : i32 to vector<256x256xi32>
    %select_n3A_333 = arith.select %eq3A_330, %iota3A, %broadcast_in_dim3A_332 : vector<256x256xi1>, vector<256x256xi32>
    %reduce_min3A_334 = arith.constant dense<2147483647> : vector<256xi32>
    %reduce_min3A_335 = vector.multi_reduction <minsi>, %select_n3A_333, %reduce_min3A_334 [1] : vector<256x256xi32> to vector<256xi32>
    %broadcast_in_dim3A_336 = vector.shape_cast %reduce_min3A_335 : vector<256xi32> to vector<256x1xi32>
    %eq3A_337 = vector.broadcast %broadcast_in_dim3A_336 : vector<256x1xi32> to vector<256x256xi32>
    %eq3A_338 = arith.cmpi eq, %iota3A, %eq3A_337 : vector<256x256xi32>
    %convert_element_type3A_339 = arith.extui %eq3A_338 : vector<256x256xi1> to vector<256x256xi32>
    %convert_element_type3A_340 = arith.sitofp %convert_element_type3A_339 : vector<256x256xi32> to vector<256x256xf32>
    %slice3A_341 = vector.extract_strided_slice %get3A_1 {offsets = [0, 2816], sizes = [256, 256], strides = [1, 1]} : vector<256x4096xf32> to vector<256x256xf32>
    %mul3A_342 = arith.mulf %slice3A_341, %slice3A_341 : vector<256x256xf32>
    %reduce_sum3A_343 = arith.constant dense<0.000000e+00> : vector<256xf32>
    %reduce_sum3A_344 = vector.multi_reduction <add>, %mul3A_342, %reduce_sum3A_343 [1] : vector<256x256xf32> to vector<256xf32>
    %broadcast_in_dim3A_345 = vector.shape_cast %reduce_sum3A_344 : vector<256xf32> to vector<256x1xf32>
    %mul3A_346 = arith.constant 2.000000e+00 : f32
    %mul3A_347 = vector.broadcast %mul3A_346 : f32 to vector<256x256xf32>
    %mul3A_348 = arith.mulf %mul3A_347, %dot_general3A_41 : vector<256x256xf32>
    %sub3A_349 = vector.broadcast %broadcast_in_dim3A_345 : vector<256x1xf32> to vector<256x256xf32>
    %sub3A_350 = arith.subf %sub3A_349, %mul3A_348 : vector<256x256xf32>
    %add3A_351 = vector.broadcast %get3A_7 : vector<1x256xf32> to vector<256x256xf32>
    %add3A_352 = arith.addf %sub3A_350, %add3A_351 : vector<256x256xf32>
    %reduce_min3A_353 = arith.constant dense<0x7F800000> : vector<256xf32>
    %reduce_min3A_354 = vector.multi_reduction <minimumf>, %add3A_352, %reduce_min3A_353 [1] : vector<256x256xf32> to vector<256xf32>
    %broadcast_in_dim3A_355 = vector.shape_cast %reduce_min3A_354 : vector<256xf32> to vector<256x1xf32>
    %eq3A_356 = vector.broadcast %broadcast_in_dim3A_355 : vector<256x1xf32> to vector<256x256xf32>
    %eq3A_357 = arith.cmpf oeq, %add3A_352, %eq3A_356 : vector<256x256xf32>
    %jit3A_358 = arith.constant 256 : i32
    %broadcast_in_dim3A_359 = vector.broadcast %jit3A_358 : i32 to vector<256x256xi32>
    %select_n3A_360 = arith.select %eq3A_357, %iota3A, %broadcast_in_dim3A_359 : vector<256x256xi1>, vector<256x256xi32>
    %reduce_min3A_361 = arith.constant dense<2147483647> : vector<256xi32>
    %reduce_min3A_362 = vector.multi_reduction <minsi>, %select_n3A_360, %reduce_min3A_361 [1] : vector<256x256xi32> to vector<256xi32>
    %broadcast_in_dim3A_363 = vector.shape_cast %reduce_min3A_362 : vector<256xi32> to vector<256x1xi32>
    %eq3A_364 = vector.broadcast %broadcast_in_dim3A_363 : vector<256x1xi32> to vector<256x256xi32>
    %eq3A_365 = arith.cmpi eq, %iota3A, %eq3A_364 : vector<256x256xi32>
    %convert_element_type3A_366 = arith.extui %eq3A_365 : vector<256x256xi1> to vector<256x256xi32>
    %convert_element_type3A_367 = arith.sitofp %convert_element_type3A_366 : vector<256x256xi32> to vector<256x256xf32>
    %slice3A_368 = vector.extract_strided_slice %get3A_1 {offsets = [0, 3072], sizes = [256, 256], strides = [1, 1]} : vector<256x4096xf32> to vector<256x256xf32>
    %mul3A_369 = arith.mulf %slice3A_368, %slice3A_368 : vector<256x256xf32>
    %reduce_sum3A_370 = arith.constant dense<0.000000e+00> : vector<256xf32>
    %reduce_sum3A_371 = vector.multi_reduction <add>, %mul3A_369, %reduce_sum3A_370 [1] : vector<256x256xf32> to vector<256xf32>
    %broadcast_in_dim3A_372 = vector.shape_cast %reduce_sum3A_371 : vector<256xf32> to vector<256x1xf32>
    %mul3A_373 = arith.constant 2.000000e+00 : f32
    %mul3A_374 = vector.broadcast %mul3A_373 : f32 to vector<256x256xf32>
    %mul3A_375 = arith.mulf %mul3A_374, %dot_general3A_44 : vector<256x256xf32>
    %sub3A_376 = vector.broadcast %broadcast_in_dim3A_372 : vector<256x1xf32> to vector<256x256xf32>
    %sub3A_377 = arith.subf %sub3A_376, %mul3A_375 : vector<256x256xf32>
    %add3A_378 = vector.broadcast %get3A_7 : vector<1x256xf32> to vector<256x256xf32>
    %add3A_379 = arith.addf %sub3A_377, %add3A_378 : vector<256x256xf32>
    %reduce_min3A_380 = arith.constant dense<0x7F800000> : vector<256xf32>
    %reduce_min3A_381 = vector.multi_reduction <minimumf>, %add3A_379, %reduce_min3A_380 [1] : vector<256x256xf32> to vector<256xf32>
    %broadcast_in_dim3A_382 = vector.shape_cast %reduce_min3A_381 : vector<256xf32> to vector<256x1xf32>
    %eq3A_383 = vector.broadcast %broadcast_in_dim3A_382 : vector<256x1xf32> to vector<256x256xf32>
    %eq3A_384 = arith.cmpf oeq, %add3A_379, %eq3A_383 : vector<256x256xf32>
    %jit3A_385 = arith.constant 256 : i32
    %broadcast_in_dim3A_386 = vector.broadcast %jit3A_385 : i32 to vector<256x256xi32>
    %select_n3A_387 = arith.select %eq3A_384, %iota3A, %broadcast_in_dim3A_386 : vector<256x256xi1>, vector<256x256xi32>
    %reduce_min3A_388 = arith.constant dense<2147483647> : vector<256xi32>
    %reduce_min3A_389 = vector.multi_reduction <minsi>, %select_n3A_387, %reduce_min3A_388 [1] : vector<256x256xi32> to vector<256xi32>
    %broadcast_in_dim3A_390 = vector.shape_cast %reduce_min3A_389 : vector<256xi32> to vector<256x1xi32>
    %eq3A_391 = vector.broadcast %broadcast_in_dim3A_390 : vector<256x1xi32> to vector<256x256xi32>
    %eq3A_392 = arith.cmpi eq, %iota3A, %eq3A_391 : vector<256x256xi32>
    %convert_element_type3A_393 = arith.extui %eq3A_392 : vector<256x256xi1> to vector<256x256xi32>
    %convert_element_type3A_394 = arith.sitofp %convert_element_type3A_393 : vector<256x256xi32> to vector<256x256xf32>
    %slice3A_395 = vector.extract_strided_slice %get3A_1 {offsets = [0, 3328], sizes = [256, 256], strides = [1, 1]} : vector<256x4096xf32> to vector<256x256xf32>
    %mul3A_396 = arith.mulf %slice3A_395, %slice3A_395 : vector<256x256xf32>
    %reduce_sum3A_397 = arith.constant dense<0.000000e+00> : vector<256xf32>
    %reduce_sum3A_398 = vector.multi_reduction <add>, %mul3A_396, %reduce_sum3A_397 [1] : vector<256x256xf32> to vector<256xf32>
    %broadcast_in_dim3A_399 = vector.shape_cast %reduce_sum3A_398 : vector<256xf32> to vector<256x1xf32>
    %mul3A_400 = arith.constant 2.000000e+00 : f32
    %mul3A_401 = vector.broadcast %mul3A_400 : f32 to vector<256x256xf32>
    %mul3A_402 = arith.mulf %mul3A_401, %dot_general3A_47 : vector<256x256xf32>
    %sub3A_403 = vector.broadcast %broadcast_in_dim3A_399 : vector<256x1xf32> to vector<256x256xf32>
    %sub3A_404 = arith.subf %sub3A_403, %mul3A_402 : vector<256x256xf32>
    %add3A_405 = vector.broadcast %get3A_7 : vector<1x256xf32> to vector<256x256xf32>
    %add3A_406 = arith.addf %sub3A_404, %add3A_405 : vector<256x256xf32>
    %reduce_min3A_407 = arith.constant dense<0x7F800000> : vector<256xf32>
    %reduce_min3A_408 = vector.multi_reduction <minimumf>, %add3A_406, %reduce_min3A_407 [1] : vector<256x256xf32> to vector<256xf32>
    %broadcast_in_dim3A_409 = vector.shape_cast %reduce_min3A_408 : vector<256xf32> to vector<256x1xf32>
    %eq3A_410 = vector.broadcast %broadcast_in_dim3A_409 : vector<256x1xf32> to vector<256x256xf32>
    %eq3A_411 = arith.cmpf oeq, %add3A_406, %eq3A_410 : vector<256x256xf32>
    %jit3A_412 = arith.constant 256 : i32
    %broadcast_in_dim3A_413 = vector.broadcast %jit3A_412 : i32 to vector<256x256xi32>
    %select_n3A_414 = arith.select %eq3A_411, %iota3A, %broadcast_in_dim3A_413 : vector<256x256xi1>, vector<256x256xi32>
    %reduce_min3A_415 = arith.constant dense<2147483647> : vector<256xi32>
    %reduce_min3A_416 = vector.multi_reduction <minsi>, %select_n3A_414, %reduce_min3A_415 [1] : vector<256x256xi32> to vector<256xi32>
    %broadcast_in_dim3A_417 = vector.shape_cast %reduce_min3A_416 : vector<256xi32> to vector<256x1xi32>
    %eq3A_418 = vector.broadcast %broadcast_in_dim3A_417 : vector<256x1xi32> to vector<256x256xi32>
    %eq3A_419 = arith.cmpi eq, %iota3A, %eq3A_418 : vector<256x256xi32>
    %convert_element_type3A_420 = arith.extui %eq3A_419 : vector<256x256xi1> to vector<256x256xi32>
    %convert_element_type3A_421 = arith.sitofp %convert_element_type3A_420 : vector<256x256xi32> to vector<256x256xf32>
    %slice3A_422 = vector.extract_strided_slice %get3A_1 {offsets = [0, 3584], sizes = [256, 256], strides = [1, 1]} : vector<256x4096xf32> to vector<256x256xf32>
    %mul3A_423 = arith.mulf %slice3A_422, %slice3A_422 : vector<256x256xf32>
    %reduce_sum3A_424 = arith.constant dense<0.000000e+00> : vector<256xf32>
    %reduce_sum3A_425 = vector.multi_reduction <add>, %mul3A_423, %reduce_sum3A_424 [1] : vector<256x256xf32> to vector<256xf32>
    %broadcast_in_dim3A_426 = vector.shape_cast %reduce_sum3A_425 : vector<256xf32> to vector<256x1xf32>
    %mul3A_427 = arith.constant 2.000000e+00 : f32
    %mul3A_428 = vector.broadcast %mul3A_427 : f32 to vector<256x256xf32>
    %mul3A_429 = arith.mulf %mul3A_428, %dot_general3A_50 : vector<256x256xf32>
    %sub3A_430 = vector.broadcast %broadcast_in_dim3A_426 : vector<256x1xf32> to vector<256x256xf32>
    %sub3A_431 = arith.subf %sub3A_430, %mul3A_429 : vector<256x256xf32>
    %add3A_432 = vector.broadcast %get3A_7 : vector<1x256xf32> to vector<256x256xf32>
    %add3A_433 = arith.addf %sub3A_431, %add3A_432 : vector<256x256xf32>
    %reduce_min3A_434 = arith.constant dense<0x7F800000> : vector<256xf32>
    %reduce_min3A_435 = vector.multi_reduction <minimumf>, %add3A_433, %reduce_min3A_434 [1] : vector<256x256xf32> to vector<256xf32>
    %broadcast_in_dim3A_436 = vector.shape_cast %reduce_min3A_435 : vector<256xf32> to vector<256x1xf32>
    %eq3A_437 = vector.broadcast %broadcast_in_dim3A_436 : vector<256x1xf32> to vector<256x256xf32>
    %eq3A_438 = arith.cmpf oeq, %add3A_433, %eq3A_437 : vector<256x256xf32>
    %jit3A_439 = arith.constant 256 : i32
    %broadcast_in_dim3A_440 = vector.broadcast %jit3A_439 : i32 to vector<256x256xi32>
    %select_n3A_441 = arith.select %eq3A_438, %iota3A, %broadcast_in_dim3A_440 : vector<256x256xi1>, vector<256x256xi32>
    %reduce_min3A_442 = arith.constant dense<2147483647> : vector<256xi32>
    %reduce_min3A_443 = vector.multi_reduction <minsi>, %select_n3A_441, %reduce_min3A_442 [1] : vector<256x256xi32> to vector<256xi32>
    %broadcast_in_dim3A_444 = vector.shape_cast %reduce_min3A_443 : vector<256xi32> to vector<256x1xi32>
    %eq3A_445 = vector.broadcast %broadcast_in_dim3A_444 : vector<256x1xi32> to vector<256x256xi32>
    %eq3A_446 = arith.cmpi eq, %iota3A, %eq3A_445 : vector<256x256xi32>
    %convert_element_type3A_447 = arith.extui %eq3A_446 : vector<256x256xi1> to vector<256x256xi32>
    %convert_element_type3A_448 = arith.sitofp %convert_element_type3A_447 : vector<256x256xi32> to vector<256x256xf32>
    %slice3A_449 = vector.extract_strided_slice %get3A_1 {offsets = [0, 3840], sizes = [256, 256], strides = [1, 1]} : vector<256x4096xf32> to vector<256x256xf32>
    %mul3A_450 = arith.mulf %slice3A_449, %slice3A_449 : vector<256x256xf32>
    %reduce_sum3A_451 = arith.constant dense<0.000000e+00> : vector<256xf32>
    %reduce_sum3A_452 = vector.multi_reduction <add>, %mul3A_450, %reduce_sum3A_451 [1] : vector<256x256xf32> to vector<256xf32>
    %broadcast_in_dim3A_453 = vector.shape_cast %reduce_sum3A_452 : vector<256xf32> to vector<256x1xf32>
    %mul3A_454 = arith.constant 2.000000e+00 : f32
    %mul3A_455 = vector.broadcast %mul3A_454 : f32 to vector<256x256xf32>
    %mul3A_456 = arith.mulf %mul3A_455, %dot_general3A_53 : vector<256x256xf32>
    %sub3A_457 = vector.broadcast %broadcast_in_dim3A_453 : vector<256x1xf32> to vector<256x256xf32>
    %sub3A_458 = arith.subf %sub3A_457, %mul3A_456 : vector<256x256xf32>
    %add3A_459 = vector.broadcast %get3A_7 : vector<1x256xf32> to vector<256x256xf32>
    %add3A_460 = arith.addf %sub3A_458, %add3A_459 : vector<256x256xf32>
    %reduce_min3A_461 = arith.constant dense<0x7F800000> : vector<256xf32>
    %reduce_min3A_462 = vector.multi_reduction <minimumf>, %add3A_460, %reduce_min3A_461 [1] : vector<256x256xf32> to vector<256xf32>
    %broadcast_in_dim3A_463 = vector.shape_cast %reduce_min3A_462 : vector<256xf32> to vector<256x1xf32>
    %eq3A_464 = vector.broadcast %broadcast_in_dim3A_463 : vector<256x1xf32> to vector<256x256xf32>
    %eq3A_465 = arith.cmpf oeq, %add3A_460, %eq3A_464 : vector<256x256xf32>
    %jit3A_466 = arith.constant 256 : i32
    %broadcast_in_dim3A_467 = vector.broadcast %jit3A_466 : i32 to vector<256x256xi32>
    %select_n3A_468 = arith.select %eq3A_465, %iota3A, %broadcast_in_dim3A_467 : vector<256x256xi1>, vector<256x256xi32>
    %reduce_min3A_469 = arith.constant dense<2147483647> : vector<256xi32>
    %reduce_min3A_470 = vector.multi_reduction <minsi>, %select_n3A_468, %reduce_min3A_469 [1] : vector<256x256xi32> to vector<256xi32>
    %broadcast_in_dim3A_471 = vector.shape_cast %reduce_min3A_470 : vector<256xi32> to vector<256x1xi32>
    %eq3A_472 = vector.broadcast %broadcast_in_dim3A_471 : vector<256x1xi32> to vector<256x256xi32>
    %eq3A_473 = arith.cmpi eq, %iota3A, %eq3A_472 : vector<256x256xi32>
    %convert_element_type3A_474 = arith.extui %eq3A_473 : vector<256x256xi1> to vector<256x256xi32>
    %convert_element_type3A_475 = arith.sitofp %convert_element_type3A_474 : vector<256x256xi32> to vector<256x256xf32>
    %concatenate3A = tpu.concatenate %broadcast_in_dim3A_67, %broadcast_in_dim3A_93, %broadcast_in_dim3A_120, %broadcast_in_dim3A_147, %broadcast_in_dim3A_174, %broadcast_in_dim3A_201, %broadcast_in_dim3A_228, %broadcast_in_dim3A_255, %broadcast_in_dim3A_282, %broadcast_in_dim3A_309, %broadcast_in_dim3A_336, %broadcast_in_dim3A_363, %broadcast_in_dim3A_390, %broadcast_in_dim3A_417, %broadcast_in_dim3A_444, %broadcast_in_dim3A_471 in 1 : vector<256x1xi32>, vector<256x1xi32>, vector<256x1xi32>, vector<256x1xi32>, vector<256x1xi32>, vector<256x1xi32>, vector<256x1xi32>, vector<256x1xi32>, vector<256x1xi32>, vector<256x1xi32>, vector<256x1xi32>, vector<256x1xi32>, vector<256x1xi32>, vector<256x1xi32>, vector<256x1xi32>, vector<256x1xi32> -> vector<256x16xi32>
    %swap3A = arith.constant 0 : index
    %swap3A_476 = arith.constant 0 : index
    %swap3A_477 = vector.load %arg6[%swap3A, %swap3A_476] : memref<256x16xi32, #tpu.memory_space<vmem>>, vector<256x16xi32>
    tpu.vector_store %arg6[%swap3A, %swap3A_476], %concatenate3A {strides = array<i32>} : memref<256x16xi32, #tpu.memory_space<vmem>>, vector<256x16xi32>,
    %get3A_478 = arith.constant 0 : index
    %get3A_479 = arith.constant 0 : index
    %get3A_480 = vector.load %arg3[%get3A_478, %get3A_479] : memref<256x768xf32, #tpu.memory_space<vmem>>, vector<256x768xf32>
    %dot_general3A_481 = arith.constant dense<0.000000e+00> : vector<256x768xf32>
    %dot_general3A_482 = tpu.matmul %convert_element_type3A_70, %get3A_480, %dot_general3A_481 {dimension_numbers = #tpu.dot_dimension_numbers<[1], [0], [0], [1], [0, 0, 1, 1], [], []>, transpose_lhs_hint = false} : vector<256x256xf32>, vector<256x768xf32>, vector<256x768xf32> -> vector<256x768xf32>
    %slice3A_483 = vector.extract_strided_slice %dot_general3A_482 {offsets = [0, 0], sizes = [256, 256], strides = [1, 1]} : vector<256x768xf32> to vector<256x256xf32>
    %slice3A_484 = vector.extract_strided_slice %dot_general3A_482 {offsets = [0, 256], sizes = [256, 256], strides = [1, 1]} : vector<256x768xf32> to vector<256x256xf32>
    %add3A_485 = arith.addf %slice3A_483, %slice3A_484 : vector<256x256xf32>
    %slice3A_486 = vector.extract_strided_slice %dot_general3A_482 {offsets = [0, 512], sizes = [256, 256], strides = [1, 1]} : vector<256x768xf32> to vector<256x256xf32>
    %add3A_487 = arith.addf %add3A_485, %slice3A_486 : vector<256x256xf32>
    %swap3A_488 = arith.constant 0 : index
    %swap3A_489 = arith.constant 0 : index
    %swap3A_490 = vector.load %arg5[%swap3A_488, %swap3A_489] : memref<256x4096xf32, #tpu.memory_space<vmem>>, vector<256x256xf32>
    tpu.vector_store %arg5[%swap3A_488, %swap3A_489], %add3A_487 {strides = array<i32>} : memref<256x4096xf32, #tpu.memory_space<vmem>>, vector<256x256xf32>,
    %dot_general3A_491 = arith.constant dense<0.000000e+00> : vector<256x768xf32>
    %dot_general3A_492 = tpu.matmul %convert_element_type3A_97, %get3A_480, %dot_general3A_491 {dimension_numbers = #tpu.dot_dimension_numbers<[1], [0], [0], [1], [0, 0, 1, 1], [], []>, transpose_lhs_hint = false} : vector<256x256xf32>, vector<256x768xf32>, vector<256x768xf32> -> vector<256x768xf32>
    %slice3A_493 = vector.extract_strided_slice %dot_general3A_492 {offsets = [0, 0], sizes = [256, 256], strides = [1, 1]} : vector<256x768xf32> to vector<256x256xf32>
    %slice3A_494 = vector.extract_strided_slice %dot_general3A_492 {offsets = [0, 256], sizes = [256, 256], strides = [1, 1]} : vector<256x768xf32> to vector<256x256xf32>
    %add3A_495 = arith.addf %slice3A_493, %slice3A_494 : vector<256x256xf32>
    %slice3A_496 = vector.extract_strided_slice %dot_general3A_492 {offsets = [0, 512], sizes = [256, 256], strides = [1, 1]} : vector<256x768xf32> to vector<256x256xf32>
    %add3A_497 = arith.addf %add3A_495, %slice3A_496 : vector<256x256xf32>
    %swap3A_498 = arith.constant 0 : index
    %swap3A_499 = arith.constant 256 : index
    %swap3A_500 = vector.load %arg5[%swap3A_498, %swap3A_499] : memref<256x4096xf32, #tpu.memory_space<vmem>>, vector<256x256xf32>
    tpu.vector_store %arg5[%swap3A_498, %swap3A_499], %add3A_497 {strides = array<i32>} : memref<256x4096xf32, #tpu.memory_space<vmem>>, vector<256x256xf32>,
    %dot_general3A_501 = arith.constant dense<0.000000e+00> : vector<256x768xf32>
    %dot_general3A_502 = tpu.matmul %convert_element_type3A_124, %get3A_480, %dot_general3A_501 {dimension_numbers = #tpu.dot_dimension_numbers<[1], [0], [0], [1], [0, 0, 1, 1], [], []>, transpose_lhs_hint = false} : vector<256x256xf32>, vector<256x768xf32>, vector<256x768xf32> -> vector<256x768xf32>
    %slice3A_503 = vector.extract_strided_slice %dot_general3A_502 {offsets = [0, 0], sizes = [256, 256], strides = [1, 1]} : vector<256x768xf32> to vector<256x256xf32>
    %slice3A_504 = vector.extract_strided_slice %dot_general3A_502 {offsets = [0, 256], sizes = [256, 256], strides = [1, 1]} : vector<256x768xf32> to vector<256x256xf32>
    %add3A_505 = arith.addf %slice3A_503, %slice3A_504 : vector<256x256xf32>
    %slice3A_506 = vector.extract_strided_slice %dot_general3A_502 {offsets = [0, 512], sizes = [256, 256], strides = [1, 1]} : vector<256x768xf32> to vector<256x256xf32>
    %add3A_507 = arith.addf %add3A_505, %slice3A_506 : vector<256x256xf32>
    %swap3A_508 = arith.constant 0 : index
    %swap3A_509 = arith.constant 512 : index
    %swap3A_510 = vector.load %arg5[%swap3A_508, %swap3A_509] : memref<256x4096xf32, #tpu.memory_space<vmem>>, vector<256x256xf32>
    tpu.vector_store %arg5[%swap3A_508, %swap3A_509], %add3A_507 {strides = array<i32>} : memref<256x4096xf32, #tpu.memory_space<vmem>>, vector<256x256xf32>,
    %dot_general3A_511 = arith.constant dense<0.000000e+00> : vector<256x768xf32>
    %dot_general3A_512 = tpu.matmul %convert_element_type3A_151, %get3A_480, %dot_general3A_511 {dimension_numbers = #tpu.dot_dimension_numbers<[1], [0], [0], [1], [0, 0, 1, 1], [], []>, transpose_lhs_hint = false} : vector<256x256xf32>, vector<256x768xf32>, vector<256x768xf32> -> vector<256x768xf32>
    %slice3A_513 = vector.extract_strided_slice %dot_general3A_512 {offsets = [0, 0], sizes = [256, 256], strides = [1, 1]} : vector<256x768xf32> to vector<256x256xf32>
    %slice3A_514 = vector.extract_strided_slice %dot_general3A_512 {offsets = [0, 256], sizes = [256, 256], strides = [1, 1]} : vector<256x768xf32> to vector<256x256xf32>
    %add3A_515 = arith.addf %slice3A_513, %slice3A_514 : vector<256x256xf32>
    %slice3A_516 = vector.extract_strided_slice %dot_general3A_512 {offsets = [0, 512], sizes = [256, 256], strides = [1, 1]} : vector<256x768xf32> to vector<256x256xf32>
    %add3A_517 = arith.addf %add3A_515, %slice3A_516 : vector<256x256xf32>
    %swap3A_518 = arith.constant 0 : index
    %swap3A_519 = arith.constant 768 : index
    %swap3A_520 = vector.load %arg5[%swap3A_518, %swap3A_519] : memref<256x4096xf32, #tpu.memory_space<vmem>>, vector<256x256xf32>
    tpu.vector_store %arg5[%swap3A_518, %swap3A_519], %add3A_517 {strides = array<i32>} : memref<256x4096xf32, #tpu.memory_space<vmem>>, vector<256x256xf32>,
    %dot_general3A_521 = arith.constant dense<0.000000e+00> : vector<256x768xf32>
    %dot_general3A_522 = tpu.matmul %convert_element_type3A_178, %get3A_480, %dot_general3A_521 {dimension_numbers = #tpu.dot_dimension_numbers<[1], [0], [0], [1], [0, 0, 1, 1], [], []>, transpose_lhs_hint = false} : vector<256x256xf32>, vector<256x768xf32>, vector<256x768xf32> -> vector<256x768xf32>
    %slice3A_523 = vector.extract_strided_slice %dot_general3A_522 {offsets = [0, 0], sizes = [256, 256], strides = [1, 1]} : vector<256x768xf32> to vector<256x256xf32>
    %slice3A_524 = vector.extract_strided_slice %dot_general3A_522 {offsets = [0, 256], sizes = [256, 256], strides = [1, 1]} : vector<256x768xf32> to vector<256x256xf32>
    %add3A_525 = arith.addf %slice3A_523, %slice3A_524 : vector<256x256xf32>
    %slice3A_526 = vector.extract_strided_slice %dot_general3A_522 {offsets = [0, 512], sizes = [256, 256], strides = [1, 1]} : vector<256x768xf32> to vector<256x256xf32>
    %add3A_527 = arith.addf %add3A_525, %slice3A_526 : vector<256x256xf32>
    %swap3A_528 = arith.constant 0 : index
    %swap3A_529 = arith.constant 1024 : index
    %swap3A_530 = vector.load %arg5[%swap3A_528, %swap3A_529] : memref<256x4096xf32, #tpu.memory_space<vmem>>, vector<256x256xf32>
    tpu.vector_store %arg5[%swap3A_528, %swap3A_529], %add3A_527 {strides = array<i32>} : memref<256x4096xf32, #tpu.memory_space<vmem>>, vector<256x256xf32>,
    %dot_general3A_531 = arith.constant dense<0.000000e+00> : vector<256x768xf32>
    %dot_general3A_532 = tpu.matmul %convert_element_type3A_205, %get3A_480, %dot_general3A_531 {dimension_numbers = #tpu.dot_dimension_numbers<[1], [0], [0], [1], [0, 0, 1, 1], [], []>, transpose_lhs_hint = false} : vector<256x256xf32>, vector<256x768xf32>, vector<256x768xf32> -> vector<256x768xf32>
    %slice3A_533 = vector.extract_strided_slice %dot_general3A_532 {offsets = [0, 0], sizes = [256, 256], strides = [1, 1]} : vector<256x768xf32> to vector<256x256xf32>
    %slice3A_534 = vector.extract_strided_slice %dot_general3A_532 {offsets = [0, 256], sizes = [256, 256], strides = [1, 1]} : vector<256x768xf32> to vector<256x256xf32>
    %add3A_535 = arith.addf %slice3A_533, %slice3A_534 : vector<256x256xf32>
    %slice3A_536 = vector.extract_strided_slice %dot_general3A_532 {offsets = [0, 512], sizes = [256, 256], strides = [1, 1]} : vector<256x768xf32> to vector<256x256xf32>
    %add3A_537 = arith.addf %add3A_535, %slice3A_536 : vector<256x256xf32>
    %swap3A_538 = arith.constant 0 : index
    %swap3A_539 = arith.constant 1280 : index
    %swap3A_540 = vector.load %arg5[%swap3A_538, %swap3A_539] : memref<256x4096xf32, #tpu.memory_space<vmem>>, vector<256x256xf32>
    tpu.vector_store %arg5[%swap3A_538, %swap3A_539], %add3A_537 {strides = array<i32>} : memref<256x4096xf32, #tpu.memory_space<vmem>>, vector<256x256xf32>,
    %dot_general3A_541 = arith.constant dense<0.000000e+00> : vector<256x768xf32>
    %dot_general3A_542 = tpu.matmul %convert_element_type3A_232, %get3A_480, %dot_general3A_541 {dimension_numbers = #tpu.dot_dimension_numbers<[1], [0], [0], [1], [0, 0, 1, 1], [], []>, transpose_lhs_hint = false} : vector<256x256xf32>, vector<256x768xf32>, vector<256x768xf32> -> vector<256x768xf32>
    %slice3A_543 = vector.extract_strided_slice %dot_general3A_542 {offsets = [0, 0], sizes = [256, 256], strides = [1, 1]} : vector<256x768xf32> to vector<256x256xf32>
    %slice3A_544 = vector.extract_strided_slice %dot_general3A_542 {offsets = [0, 256], sizes = [256, 256], strides = [1, 1]} : vector<256x768xf32> to vector<256x256xf32>
    %add3A_545 = arith.addf %slice3A_543, %slice3A_544 : vector<256x256xf32>
    %slice3A_546 = vector.extract_strided_slice %dot_general3A_542 {offsets = [0, 512], sizes = [256, 256], strides = [1, 1]} : vector<256x768xf32> to vector<256x256xf32>
    %add3A_547 = arith.addf %add3A_545, %slice3A_546 : vector<256x256xf32>
    %swap3A_548 = arith.constant 0 : index
    %swap3A_549 = arith.constant 1536 : index
    %swap3A_550 = vector.load %arg5[%swap3A_548, %swap3A_549] : memref<256x4096xf32, #tpu.memory_space<vmem>>, vector<256x256xf32>
    tpu.vector_store %arg5[%swap3A_548, %swap3A_549], %add3A_547 {strides = array<i32>} : memref<256x4096xf32, #tpu.memory_space<vmem>>, vector<256x256xf32>,
    %dot_general3A_551 = arith.constant dense<0.000000e+00> : vector<256x768xf32>
    %dot_general3A_552 = tpu.matmul %convert_element_type3A_259, %get3A_480, %dot_general3A_551 {dimension_numbers = #tpu.dot_dimension_numbers<[1], [0], [0], [1], [0, 0, 1, 1], [], []>, transpose_lhs_hint = false} : vector<256x256xf32>, vector<256x768xf32>, vector<256x768xf32> -> vector<256x768xf32>
    %slice3A_553 = vector.extract_strided_slice %dot_general3A_552 {offsets = [0, 0], sizes = [256, 256], strides = [1, 1]} : vector<256x768xf32> to vector<256x256xf32>
    %slice3A_554 = vector.extract_strided_slice %dot_general3A_552 {offsets = [0, 256], sizes = [256, 256], strides = [1, 1]} : vector<256x768xf32> to vector<256x256xf32>
    %add3A_555 = arith.addf %slice3A_553, %slice3A_554 : vector<256x256xf32>
    %slice3A_556 = vector.extract_strided_slice %dot_general3A_552 {offsets = [0, 512], sizes = [256, 256], strides = [1, 1]} : vector<256x768xf32> to vector<256x256xf32>
    %add3A_557 = arith.addf %add3A_555, %slice3A_556 : vector<256x256xf32>
    %swap3A_558 = arith.constant 0 : index
    %swap3A_559 = arith.constant 1792 : index
    %swap3A_560 = vector.load %arg5[%swap3A_558, %swap3A_559] : memref<256x4096xf32, #tpu.memory_space<vmem>>, vector<256x256xf32>
    tpu.vector_store %arg5[%swap3A_558, %swap3A_559], %add3A_557 {strides = array<i32>} : memref<256x4096xf32, #tpu.memory_space<vmem>>, vector<256x256xf32>,
    %dot_general3A_561 = arith.constant dense<0.000000e+00> : vector<256x768xf32>
    %dot_general3A_562 = tpu.matmul %convert_element_type3A_286, %get3A_480, %dot_general3A_561 {dimension_numbers = #tpu.dot_dimension_numbers<[1], [0], [0], [1], [0, 0, 1, 1], [], []>, transpose_lhs_hint = false} : vector<256x256xf32>, vector<256x768xf32>, vector<256x768xf32> -> vector<256x768xf32>
    %slice3A_563 = vector.extract_strided_slice %dot_general3A_562 {offsets = [0, 0], sizes = [256, 256], strides = [1, 1]} : vector<256x768xf32> to vector<256x256xf32>
    %slice3A_564 = vector.extract_strided_slice %dot_general3A_562 {offsets = [0, 256], sizes = [256, 256], strides = [1, 1]} : vector<256x768xf32> to vector<256x256xf32>
    %add3A_565 = arith.addf %slice3A_563, %slice3A_564 : vector<256x256xf32>
    %slice3A_566 = vector.extract_strided_slice %dot_general3A_562 {offsets = [0, 512], sizes = [256, 256], strides = [1, 1]} : vector<256x768xf32> to vector<256x256xf32>
    %add3A_567 = arith.addf %add3A_565, %slice3A_566 : vector<256x256xf32>
    %swap3A_568 = arith.constant 0 : index
    %swap3A_569 = arith.constant 2048 : index
    %swap3A_570 = vector.load %arg5[%swap3A_568, %swap3A_569] : memref<256x4096xf32, #tpu.memory_space<vmem>>, vector<256x256xf32>
    tpu.vector_store %arg5[%swap3A_568, %swap3A_569], %add3A_567 {strides = array<i32>} : memref<256x4096xf32, #tpu.memory_space<vmem>>, vector<256x256xf32>,
    %dot_general3A_571 = arith.constant dense<0.000000e+00> : vector<256x768xf32>
    %dot_general3A_572 = tpu.matmul %convert_element_type3A_313, %get3A_480, %dot_general3A_571 {dimension_numbers = #tpu.dot_dimension_numbers<[1], [0], [0], [1], [0, 0, 1, 1], [], []>, transpose_lhs_hint = false} : vector<256x256xf32>, vector<256x768xf32>, vector<256x768xf32> -> vector<256x768xf32>
    %slice3A_573 = vector.extract_strided_slice %dot_general3A_572 {offsets = [0, 0], sizes = [256, 256], strides = [1, 1]} : vector<256x768xf32> to vector<256x256xf32>
    %slice3A_574 = vector.extract_strided_slice %dot_general3A_572 {offsets = [0, 256], sizes = [256, 256], strides = [1, 1]} : vector<256x768xf32> to vector<256x256xf32>
    %add3A_575 = arith.addf %slice3A_573, %slice3A_574 : vector<256x256xf32>
    %slice3A_576 = vector.extract_strided_slice %dot_general3A_572 {offsets = [0, 512], sizes = [256, 256], strides = [1, 1]} : vector<256x768xf32> to vector<256x256xf32>
    %add3A_577 = arith.addf %add3A_575, %slice3A_576 : vector<256x256xf32>
    %swap3A_578 = arith.constant 0 : index
    %swap3A_579 = arith.constant 2304 : index
    %swap3A_580 = vector.load %arg5[%swap3A_578, %swap3A_579] : memref<256x4096xf32, #tpu.memory_space<vmem>>, vector<256x256xf32>
    tpu.vector_store %arg5[%swap3A_578, %swap3A_579], %add3A_577 {strides = array<i32>} : memref<256x4096xf32, #tpu.memory_space<vmem>>, vector<256x256xf32>,
    %dot_general3A_581 = arith.constant dense<0.000000e+00> : vector<256x768xf32>
    %dot_general3A_582 = tpu.matmul %convert_element_type3A_340, %get3A_480, %dot_general3A_581 {dimension_numbers = #tpu.dot_dimension_numbers<[1], [0], [0], [1], [0, 0, 1, 1], [], []>, transpose_lhs_hint = false} : vector<256x256xf32>, vector<256x768xf32>, vector<256x768xf32> -> vector<256x768xf32>
    %slice3A_583 = vector.extract_strided_slice %dot_general3A_582 {offsets = [0, 0], sizes = [256, 256], strides = [1, 1]} : vector<256x768xf32> to vector<256x256xf32>
    %slice3A_584 = vector.extract_strided_slice %dot_general3A_582 {offsets = [0, 256], sizes = [256, 256], strides = [1, 1]} : vector<256x768xf32> to vector<256x256xf32>
    %add3A_585 = arith.addf %slice3A_583, %slice3A_584 : vector<256x256xf32>
    %slice3A_586 = vector.extract_strided_slice %dot_general3A_582 {offsets = [0, 512], sizes = [256, 256], strides = [1, 1]} : vector<256x768xf32> to vector<256x256xf32>
    %add3A_587 = arith.addf %add3A_585, %slice3A_586 : vector<256x256xf32>
    %swap3A_588 = arith.constant 0 : index
    %swap3A_589 = arith.constant 2560 : index
    %swap3A_590 = vector.load %arg5[%swap3A_588, %swap3A_589] : memref<256x4096xf32, #tpu.memory_space<vmem>>, vector<256x256xf32>
    tpu.vector_store %arg5[%swap3A_588, %swap3A_589], %add3A_587 {strides = array<i32>} : memref<256x4096xf32, #tpu.memory_space<vmem>>, vector<256x256xf32>,
    %dot_general3A_591 = arith.constant dense<0.000000e+00> : vector<256x768xf32>
    %dot_general3A_592 = tpu.matmul %convert_element_type3A_367, %get3A_480, %dot_general3A_591 {dimension_numbers = #tpu.dot_dimension_numbers<[1], [0], [0], [1], [0, 0, 1, 1], [], []>, transpose_lhs_hint = false} : vector<256x256xf32>, vector<256x768xf32>, vector<256x768xf32> -> vector<256x768xf32>
    %slice3A_593 = vector.extract_strided_slice %dot_general3A_592 {offsets = [0, 0], sizes = [256, 256], strides = [1, 1]} : vector<256x768xf32> to vector<256x256xf32>
    %slice3A_594 = vector.extract_strided_slice %dot_general3A_592 {offsets = [0, 256], sizes = [256, 256], strides = [1, 1]} : vector<256x768xf32> to vector<256x256xf32>
    %add3A_595 = arith.addf %slice3A_593, %slice3A_594 : vector<256x256xf32>
    %slice3A_596 = vector.extract_strided_slice %dot_general3A_592 {offsets = [0, 512], sizes = [256, 256], strides = [1, 1]} : vector<256x768xf32> to vector<256x256xf32>
    %add3A_597 = arith.addf %add3A_595, %slice3A_596 : vector<256x256xf32>
    %swap3A_598 = arith.constant 0 : index
    %swap3A_599 = arith.constant 2816 : index
    %swap3A_600 = vector.load %arg5[%swap3A_598, %swap3A_599] : memref<256x4096xf32, #tpu.memory_space<vmem>>, vector<256x256xf32>
    tpu.vector_store %arg5[%swap3A_598, %swap3A_599], %add3A_597 {strides = array<i32>} : memref<256x4096xf32, #tpu.memory_space<vmem>>, vector<256x256xf32>,
    %dot_general3A_601 = arith.constant dense<0.000000e+00> : vector<256x768xf32>
    %dot_general3A_602 = tpu.matmul %convert_element_type3A_394, %get3A_480, %dot_general3A_601 {dimension_numbers = #tpu.dot_dimension_numbers<[1], [0], [0], [1], [0, 0, 1, 1], [], []>, transpose_lhs_hint = false} : vector<256x256xf32>, vector<256x768xf32>, vector<256x768xf32> -> vector<256x768xf32>
    %slice3A_603 = vector.extract_strided_slice %dot_general3A_602 {offsets = [0, 0], sizes = [256, 256], strides = [1, 1]} : vector<256x768xf32> to vector<256x256xf32>
    %slice3A_604 = vector.extract_strided_slice %dot_general3A_602 {offsets = [0, 256], sizes = [256, 256], strides = [1, 1]} : vector<256x768xf32> to vector<256x256xf32>
    %add3A_605 = arith.addf %slice3A_603, %slice3A_604 : vector<256x256xf32>
    %slice3A_606 = vector.extract_strided_slice %dot_general3A_602 {offsets = [0, 512], sizes = [256, 256], strides = [1, 1]} : vector<256x768xf32> to vector<256x256xf32>
    %add3A_607 = arith.addf %add3A_605, %slice3A_606 : vector<256x256xf32>
    %swap3A_608 = arith.constant 0 : index
    %swap3A_609 = arith.constant 3072 : index
    %swap3A_610 = vector.load %arg5[%swap3A_608, %swap3A_609] : memref<256x4096xf32, #tpu.memory_space<vmem>>, vector<256x256xf32>
    tpu.vector_store %arg5[%swap3A_608, %swap3A_609], %add3A_607 {strides = array<i32>} : memref<256x4096xf32, #tpu.memory_space<vmem>>, vector<256x256xf32>,
    %dot_general3A_611 = arith.constant dense<0.000000e+00> : vector<256x768xf32>
    %dot_general3A_612 = tpu.matmul %convert_element_type3A_421, %get3A_480, %dot_general3A_611 {dimension_numbers = #tpu.dot_dimension_numbers<[1], [0], [0], [1], [0, 0, 1, 1], [], []>, transpose_lhs_hint = false} : vector<256x256xf32>, vector<256x768xf32>, vector<256x768xf32> -> vector<256x768xf32>
    %slice3A_613 = vector.extract_strided_slice %dot_general3A_612 {offsets = [0, 0], sizes = [256, 256], strides = [1, 1]} : vector<256x768xf32> to vector<256x256xf32>
    %slice3A_614 = vector.extract_strided_slice %dot_general3A_612 {offsets = [0, 256], sizes = [256, 256], strides = [1, 1]} : vector<256x768xf32> to vector<256x256xf32>
    %add3A_615 = arith.addf %slice3A_613, %slice3A_614 : vector<256x256xf32>
    %slice3A_616 = vector.extract_strided_slice %dot_general3A_612 {offsets = [0, 512], sizes = [256, 256], strides = [1, 1]} : vector<256x768xf32> to vector<256x256xf32>
    %add3A_617 = arith.addf %add3A_615, %slice3A_616 : vector<256x256xf32>
    %swap3A_618 = arith.constant 0 : index
    %swap3A_619 = arith.constant 3328 : index
    %swap3A_620 = vector.load %arg5[%swap3A_618, %swap3A_619] : memref<256x4096xf32, #tpu.memory_space<vmem>>, vector<256x256xf32>
    tpu.vector_store %arg5[%swap3A_618, %swap3A_619], %add3A_617 {strides = array<i32>} : memref<256x4096xf32, #tpu.memory_space<vmem>>, vector<256x256xf32>,
    %dot_general3A_621 = arith.constant dense<0.000000e+00> : vector<256x768xf32>
    %dot_general3A_622 = tpu.matmul %convert_element_type3A_448, %get3A_480, %dot_general3A_621 {dimension_numbers = #tpu.dot_dimension_numbers<[1], [0], [0], [1], [0, 0, 1, 1], [], []>, transpose_lhs_hint = false} : vector<256x256xf32>, vector<256x768xf32>, vector<256x768xf32> -> vector<256x768xf32>
    %slice3A_623 = vector.extract_strided_slice %dot_general3A_622 {offsets = [0, 0], sizes = [256, 256], strides = [1, 1]} : vector<256x768xf32> to vector<256x256xf32>
    %slice3A_624 = vector.extract_strided_slice %dot_general3A_622 {offsets = [0, 256], sizes = [256, 256], strides = [1, 1]} : vector<256x768xf32> to vector<256x256xf32>
    %add3A_625 = arith.addf %slice3A_623, %slice3A_624 : vector<256x256xf32>
    %slice3A_626 = vector.extract_strided_slice %dot_general3A_622 {offsets = [0, 512], sizes = [256, 256], strides = [1, 1]} : vector<256x768xf32> to vector<256x256xf32>
    %add3A_627 = arith.addf %add3A_625, %slice3A_626 : vector<256x256xf32>
    %swap3A_628 = arith.constant 0 : index
    %swap3A_629 = arith.constant 3584 : index
    %swap3A_630 = vector.load %arg5[%swap3A_628, %swap3A_629] : memref<256x4096xf32, #tpu.memory_space<vmem>>, vector<256x256xf32>
    tpu.vector_store %arg5[%swap3A_628, %swap3A_629], %add3A_627 {strides = array<i32>} : memref<256x4096xf32, #tpu.memory_space<vmem>>, vector<256x256xf32>,
    %dot_general3A_631 = arith.constant dense<0.000000e+00> : vector<256x768xf32>
    %dot_general3A_632 = tpu.matmul %convert_element_type3A_475, %get3A_480, %dot_general3A_631 {dimension_numbers = #tpu.dot_dimension_numbers<[1], [0], [0], [1], [0, 0, 1, 1], [], []>, transpose_lhs_hint = false} : vector<256x256xf32>, vector<256x768xf32>, vector<256x768xf32> -> vector<256x768xf32>
    %slice3A_633 = vector.extract_strided_slice %dot_general3A_632 {offsets = [0, 0], sizes = [256, 256], strides = [1, 1]} : vector<256x768xf32> to vector<256x256xf32>
    %slice3A_634 = vector.extract_strided_slice %dot_general3A_632 {offsets = [0, 256], sizes = [256, 256], strides = [1, 1]} : vector<256x768xf32> to vector<256x256xf32>
    %add3A_635 = arith.addf %slice3A_633, %slice3A_634 : vector<256x256xf32>
    %slice3A_636 = vector.extract_strided_slice %dot_general3A_632 {offsets = [0, 512], sizes = [256, 256], strides = [1, 1]} : vector<256x768xf32> to vector<256x256xf32>
    %add3A_637 = arith.addf %add3A_635, %slice3A_636 : vector<256x256xf32>
    %swap3A_638 = arith.constant 0 : index
    %swap3A_639 = arith.constant 3840 : index
    %swap3A_640 = vector.load %arg5[%swap3A_638, %swap3A_639] : memref<256x4096xf32, #tpu.memory_space<vmem>>, vector<256x256xf32>
    tpu.vector_store %arg5[%swap3A_638, %swap3A_639], %add3A_637 {strides = array<i32>} : memref<256x4096xf32, #tpu.memory_space<vmem>>, vector<256x256xf32>,
    return
  }
  func.func @transform_0(%arg0: i32) -> (i32, i32) {
    %c0_i32 = arith.constant 0 : i32
    %c0_i32_0 = arith.constant 0 : i32
    return %arg0, %c0_i32 : i32, i32
  }
  func.func @transform_1(%arg0: i32) -> (i32, i32) {
    %c0_i32 = arith.constant 0 : i32
    %c0_i32_0 = arith.constant 0 : i32
    %c0_i32_1 = arith.constant 0 : i32
    return %c0_i32, %c0_i32_0 : i32, i32
  }
  func.func @transform_2(%arg0: i32) -> (i32, i32) {
    %c0_i32 = arith.constant 0 : i32
    %c0_i32_0 = arith.constant 0 : i32
    %c0_i32_1 = arith.constant 0 : i32
    return %c0_i32, %c0_i32_0 : i32, i32
  }
  func.func @transform_3(%arg0: i32) -> (i32, i32) {
    %c0_i32 = arith.constant 0 : i32
    %c0_i32_0 = arith.constant 0 : i32
    %c0_i32_1 = arith.constant 0 : i32
    return %c0_i32, %c0_i32_0 : i32, i32
  }
  func.func @transform_4(%arg0: i32) -> (i32, i32) {
    %c0_i32 = arith.constant 0 : i32
    %c0_i32_0 = arith.constant 0 : i32
    return %arg0, %c0_i32 : i32, i32
  }
  func.func @transform_5(%arg0: i32) -> (i32, i32) {
    %c0_i32 = arith.constant 0 : i32
    %c0_i32_0 = arith.constant 0 : i32
    return %arg0, %c0_i32 : i32, i32
  }
}

module attributes {stable_mosaic.version = 14 : i64} {
  func.func @_dec_body(%arg0: i32, %arg1: memref<256x16xi32, #tpu.memory_space<vmem>>, %arg2: memref<4096x400xf32, #tpu.memory_space<vmem>>, %arg3: memref<1x400xf32, #tpu.memory_space<vmem>>, %arg4: memref<400x3072xf32, #tpu.memory_space<vmem>>, %arg5: memref<1x3072xf32, #tpu.memory_space<vmem>>, %arg6: memref<256x3072xf32, #tpu.memory_space<vmem>>) attributes {dimension_semantics = [#tpu.dimension_semantics<arbitrary>], iteration_bounds = array<i64: 16>, scalar_prefetch = 0 : i64, scratch_operands = 0 : i64, tpu.core_type = #tpu.core_type<tc>, window_params = [{transform_indices = @transform_0, window_bounds = array<i64: 256, 16>}, {pipeline_mode = #tpu.pipeline_mode<synchronous>, transform_indices = @transform_1, window_bounds = array<i64: 4096, 400>}, {pipeline_mode = #tpu.pipeline_mode<synchronous>, transform_indices = @transform_2, window_bounds = array<i64: 1, 400>}, {pipeline_mode = #tpu.pipeline_mode<synchronous>, transform_indices = @transform_3, window_bounds = array<i64: 400, 3072>}, {pipeline_mode = #tpu.pipeline_mode<synchronous>, transform_indices = @transform_4, window_bounds = array<i64: 1, 3072>}, {transform_indices = @transform_5, window_bounds = array<i64: 256, 3072>}]} {
    %iota3A = tpu.iota {dimensions = array<i32: 1>} : vector<256x256xi32>
    %get3A = arith.constant 0 : index
    %get3A_0 = arith.constant 0 : index
    %get3A_1 = vector.load %arg1[%get3A, %get3A_0] : memref<256x16xi32, #tpu.memory_space<vmem>>, vector<256x16xi32>
    %slice3A = vector.extract_strided_slice %get3A_1 {offsets = [0, 0], sizes = [256, 1], strides = [1, 1]} : vector<256x16xi32> to vector<256x1xi32>
    %eq3A = vector.broadcast %slice3A : vector<256x1xi32> to vector<256x256xi32>
    %eq3A_2 = arith.cmpi eq, %iota3A, %eq3A : vector<256x256xi32>
    %convert_element_type3A = arith.extui %eq3A_2 : vector<256x256xi1> to vector<256x256xi32>
    %convert_element_type3A_3 = arith.sitofp %convert_element_type3A : vector<256x256xi32> to vector<256x256xf32>
    %slice3A_4 = vector.extract_strided_slice %get3A_1 {offsets = [0, 1], sizes = [256, 1], strides = [1, 1]} : vector<256x16xi32> to vector<256x1xi32>
    %eq3A_5 = vector.broadcast %slice3A_4 : vector<256x1xi32> to vector<256x256xi32>
    %eq3A_6 = arith.cmpi eq, %iota3A, %eq3A_5 : vector<256x256xi32>
    %convert_element_type3A_7 = arith.extui %eq3A_6 : vector<256x256xi1> to vector<256x256xi32>
    %convert_element_type3A_8 = arith.sitofp %convert_element_type3A_7 : vector<256x256xi32> to vector<256x256xf32>
    %slice3A_9 = vector.extract_strided_slice %get3A_1 {offsets = [0, 2], sizes = [256, 1], strides = [1, 1]} : vector<256x16xi32> to vector<256x1xi32>
    %eq3A_10 = vector.broadcast %slice3A_9 : vector<256x1xi32> to vector<256x256xi32>
    %eq3A_11 = arith.cmpi eq, %iota3A, %eq3A_10 : vector<256x256xi32>
    %convert_element_type3A_12 = arith.extui %eq3A_11 : vector<256x256xi1> to vector<256x256xi32>
    %convert_element_type3A_13 = arith.sitofp %convert_element_type3A_12 : vector<256x256xi32> to vector<256x256xf32>
    %slice3A_14 = vector.extract_strided_slice %get3A_1 {offsets = [0, 3], sizes = [256, 1], strides = [1, 1]} : vector<256x16xi32> to vector<256x1xi32>
    %eq3A_15 = vector.broadcast %slice3A_14 : vector<256x1xi32> to vector<256x256xi32>
    %eq3A_16 = arith.cmpi eq, %iota3A, %eq3A_15 : vector<256x256xi32>
    %convert_element_type3A_17 = arith.extui %eq3A_16 : vector<256x256xi1> to vector<256x256xi32>
    %convert_element_type3A_18 = arith.sitofp %convert_element_type3A_17 : vector<256x256xi32> to vector<256x256xf32>
    %slice3A_19 = vector.extract_strided_slice %get3A_1 {offsets = [0, 4], sizes = [256, 1], strides = [1, 1]} : vector<256x16xi32> to vector<256x1xi32>
    %eq3A_20 = vector.broadcast %slice3A_19 : vector<256x1xi32> to vector<256x256xi32>
    %eq3A_21 = arith.cmpi eq, %iota3A, %eq3A_20 : vector<256x256xi32>
    %convert_element_type3A_22 = arith.extui %eq3A_21 : vector<256x256xi1> to vector<256x256xi32>
    %convert_element_type3A_23 = arith.sitofp %convert_element_type3A_22 : vector<256x256xi32> to vector<256x256xf32>
    %slice3A_24 = vector.extract_strided_slice %get3A_1 {offsets = [0, 5], sizes = [256, 1], strides = [1, 1]} : vector<256x16xi32> to vector<256x1xi32>
    %eq3A_25 = vector.broadcast %slice3A_24 : vector<256x1xi32> to vector<256x256xi32>
    %eq3A_26 = arith.cmpi eq, %iota3A, %eq3A_25 : vector<256x256xi32>
    %convert_element_type3A_27 = arith.extui %eq3A_26 : vector<256x256xi1> to vector<256x256xi32>
    %convert_element_type3A_28 = arith.sitofp %convert_element_type3A_27 : vector<256x256xi32> to vector<256x256xf32>
    %slice3A_29 = vector.extract_strided_slice %get3A_1 {offsets = [0, 6], sizes = [256, 1], strides = [1, 1]} : vector<256x16xi32> to vector<256x1xi32>
    %eq3A_30 = vector.broadcast %slice3A_29 : vector<256x1xi32> to vector<256x256xi32>
    %eq3A_31 = arith.cmpi eq, %iota3A, %eq3A_30 : vector<256x256xi32>
    %convert_element_type3A_32 = arith.extui %eq3A_31 : vector<256x256xi1> to vector<256x256xi32>
    %convert_element_type3A_33 = arith.sitofp %convert_element_type3A_32 : vector<256x256xi32> to vector<256x256xf32>
    %slice3A_34 = vector.extract_strided_slice %get3A_1 {offsets = [0, 7], sizes = [256, 1], strides = [1, 1]} : vector<256x16xi32> to vector<256x1xi32>
    %eq3A_35 = vector.broadcast %slice3A_34 : vector<256x1xi32> to vector<256x256xi32>
    %eq3A_36 = arith.cmpi eq, %iota3A, %eq3A_35 : vector<256x256xi32>
    %convert_element_type3A_37 = arith.extui %eq3A_36 : vector<256x256xi1> to vector<256x256xi32>
    %convert_element_type3A_38 = arith.sitofp %convert_element_type3A_37 : vector<256x256xi32> to vector<256x256xf32>
    %slice3A_39 = vector.extract_strided_slice %get3A_1 {offsets = [0, 8], sizes = [256, 1], strides = [1, 1]} : vector<256x16xi32> to vector<256x1xi32>
    %eq3A_40 = vector.broadcast %slice3A_39 : vector<256x1xi32> to vector<256x256xi32>
    %eq3A_41 = arith.cmpi eq, %iota3A, %eq3A_40 : vector<256x256xi32>
    %convert_element_type3A_42 = arith.extui %eq3A_41 : vector<256x256xi1> to vector<256x256xi32>
    %convert_element_type3A_43 = arith.sitofp %convert_element_type3A_42 : vector<256x256xi32> to vector<256x256xf32>
    %slice3A_44 = vector.extract_strided_slice %get3A_1 {offsets = [0, 9], sizes = [256, 1], strides = [1, 1]} : vector<256x16xi32> to vector<256x1xi32>
    %eq3A_45 = vector.broadcast %slice3A_44 : vector<256x1xi32> to vector<256x256xi32>
    %eq3A_46 = arith.cmpi eq, %iota3A, %eq3A_45 : vector<256x256xi32>
    %convert_element_type3A_47 = arith.extui %eq3A_46 : vector<256x256xi1> to vector<256x256xi32>
    %convert_element_type3A_48 = arith.sitofp %convert_element_type3A_47 : vector<256x256xi32> to vector<256x256xf32>
    %slice3A_49 = vector.extract_strided_slice %get3A_1 {offsets = [0, 10], sizes = [256, 1], strides = [1, 1]} : vector<256x16xi32> to vector<256x1xi32>
    %eq3A_50 = vector.broadcast %slice3A_49 : vector<256x1xi32> to vector<256x256xi32>
    %eq3A_51 = arith.cmpi eq, %iota3A, %eq3A_50 : vector<256x256xi32>
    %convert_element_type3A_52 = arith.extui %eq3A_51 : vector<256x256xi1> to vector<256x256xi32>
    %convert_element_type3A_53 = arith.sitofp %convert_element_type3A_52 : vector<256x256xi32> to vector<256x256xf32>
    %slice3A_54 = vector.extract_strided_slice %get3A_1 {offsets = [0, 11], sizes = [256, 1], strides = [1, 1]} : vector<256x16xi32> to vector<256x1xi32>
    %eq3A_55 = vector.broadcast %slice3A_54 : vector<256x1xi32> to vector<256x256xi32>
    %eq3A_56 = arith.cmpi eq, %iota3A, %eq3A_55 : vector<256x256xi32>
    %convert_element_type3A_57 = arith.extui %eq3A_56 : vector<256x256xi1> to vector<256x256xi32>
    %convert_element_type3A_58 = arith.sitofp %convert_element_type3A_57 : vector<256x256xi32> to vector<256x256xf32>
    %slice3A_59 = vector.extract_strided_slice %get3A_1 {offsets = [0, 12], sizes = [256, 1], strides = [1, 1]} : vector<256x16xi32> to vector<256x1xi32>
    %eq3A_60 = vector.broadcast %slice3A_59 : vector<256x1xi32> to vector<256x256xi32>
    %eq3A_61 = arith.cmpi eq, %iota3A, %eq3A_60 : vector<256x256xi32>
    %convert_element_type3A_62 = arith.extui %eq3A_61 : vector<256x256xi1> to vector<256x256xi32>
    %convert_element_type3A_63 = arith.sitofp %convert_element_type3A_62 : vector<256x256xi32> to vector<256x256xf32>
    %slice3A_64 = vector.extract_strided_slice %get3A_1 {offsets = [0, 13], sizes = [256, 1], strides = [1, 1]} : vector<256x16xi32> to vector<256x1xi32>
    %eq3A_65 = vector.broadcast %slice3A_64 : vector<256x1xi32> to vector<256x256xi32>
    %eq3A_66 = arith.cmpi eq, %iota3A, %eq3A_65 : vector<256x256xi32>
    %convert_element_type3A_67 = arith.extui %eq3A_66 : vector<256x256xi1> to vector<256x256xi32>
    %convert_element_type3A_68 = arith.sitofp %convert_element_type3A_67 : vector<256x256xi32> to vector<256x256xf32>
    %slice3A_69 = vector.extract_strided_slice %get3A_1 {offsets = [0, 14], sizes = [256, 1], strides = [1, 1]} : vector<256x16xi32> to vector<256x1xi32>
    %eq3A_70 = vector.broadcast %slice3A_69 : vector<256x1xi32> to vector<256x256xi32>
    %eq3A_71 = arith.cmpi eq, %iota3A, %eq3A_70 : vector<256x256xi32>
    %convert_element_type3A_72 = arith.extui %eq3A_71 : vector<256x256xi1> to vector<256x256xi32>
    %convert_element_type3A_73 = arith.sitofp %convert_element_type3A_72 : vector<256x256xi32> to vector<256x256xf32>
    %slice3A_74 = vector.extract_strided_slice %get3A_1 {offsets = [0, 15], sizes = [256, 1], strides = [1, 1]} : vector<256x16xi32> to vector<256x1xi32>
    %eq3A_75 = vector.broadcast %slice3A_74 : vector<256x1xi32> to vector<256x256xi32>
    %eq3A_76 = arith.cmpi eq, %iota3A, %eq3A_75 : vector<256x256xi32>
    %convert_element_type3A_77 = arith.extui %eq3A_76 : vector<256x256xi1> to vector<256x256xi32>
    %convert_element_type3A_78 = arith.sitofp %convert_element_type3A_77 : vector<256x256xi32> to vector<256x256xf32>
    %concatenate3A = tpu.concatenate %convert_element_type3A_3, %convert_element_type3A_8, %convert_element_type3A_13, %convert_element_type3A_18, %convert_element_type3A_23, %convert_element_type3A_28, %convert_element_type3A_33, %convert_element_type3A_38, %convert_element_type3A_43, %convert_element_type3A_48, %convert_element_type3A_53, %convert_element_type3A_58, %convert_element_type3A_63, %convert_element_type3A_68, %convert_element_type3A_73, %convert_element_type3A_78 in 1 : vector<256x256xf32>, vector<256x256xf32>, vector<256x256xf32>, vector<256x256xf32>, vector<256x256xf32>, vector<256x256xf32>, vector<256x256xf32>, vector<256x256xf32>, vector<256x256xf32>, vector<256x256xf32>, vector<256x256xf32>, vector<256x256xf32>, vector<256x256xf32>, vector<256x256xf32>, vector<256x256xf32>, vector<256x256xf32> -> vector<256x4096xf32>
    %get3A_79 = arith.constant 0 : index
    %get3A_80 = arith.constant 0 : index
    %get3A_81 = vector.load %arg2[%get3A_79, %get3A_80] : memref<4096x400xf32, #tpu.memory_space<vmem>>, vector<4096x400xf32>
    %dot_general3A = arith.constant dense<0.000000e+00> : vector<256x400xf32>
    %dot_general3A_82 = tpu.matmul %concatenate3A, %get3A_81, %dot_general3A {dimension_numbers = #tpu.dot_dimension_numbers<[1], [0], [0], [1], [0, 0, 1, 1], [], []>, transpose_lhs_hint = false} : vector<256x4096xf32>, vector<4096x400xf32>, vector<256x400xf32> -> vector<256x400xf32>
    %get3A_83 = arith.constant 0 : index
    %get3A_84 = arith.constant 0 : index
    %get3A_85 = vector.load %arg3[%get3A_83, %get3A_84] : memref<1x400xf32, #tpu.memory_space<vmem>>, vector<1x400xf32>
    %add3A = vector.broadcast %get3A_85 : vector<1x400xf32> to vector<256x400xf32>
    %add3A_86 = arith.addf %dot_general3A_82, %add3A : vector<256x400xf32>
    %max3A = arith.constant 0.000000e+00 : f32
    %max3A_87 = vector.broadcast %max3A : f32 to vector<256x400xf32>
    %max3A_88 = arith.maximumf %add3A_86, %max3A_87 : vector<256x400xf32>
    %get3A_89 = arith.constant 0 : index
    %get3A_90 = arith.constant 0 : index
    %get3A_91 = vector.load %arg4[%get3A_89, %get3A_90] : memref<400x3072xf32, #tpu.memory_space<vmem>>, vector<400x3072xf32>
    %dot_general3A_92 = arith.constant dense<0.000000e+00> : vector<256x3072xf32>
    %dot_general3A_93 = tpu.matmul %max3A_88, %get3A_91, %dot_general3A_92 {dimension_numbers = #tpu.dot_dimension_numbers<[1], [0], [0], [1], [0, 0, 1, 1], [], []>, transpose_lhs_hint = false} : vector<256x400xf32>, vector<400x3072xf32>, vector<256x3072xf32> -> vector<256x3072xf32>
    %get3A_94 = arith.constant 0 : index
    %get3A_95 = arith.constant 0 : index
    %get3A_96 = vector.load %arg5[%get3A_94, %get3A_95] : memref<1x3072xf32, #tpu.memory_space<vmem>>, vector<1x3072xf32>
    %add3A_97 = vector.broadcast %get3A_96 : vector<1x3072xf32> to vector<256x3072xf32>
    %add3A_98 = arith.addf %dot_general3A_93, %add3A_97 : vector<256x3072xf32>
    %logistic3A = arith.negf %add3A_98 : vector<256x3072xf32>
    %logistic3A_99 = math.exp %logistic3A : vector<256x3072xf32>
    %logistic3A_100 = arith.constant 1.000000e+00 : f32
    %logistic3A_101 = vector.broadcast %logistic3A_100 : f32 to vector<256x3072xf32>
    %logistic3A_102 = arith.addf %logistic3A_101, %logistic3A_99 : vector<256x3072xf32>
    %logistic3A_103 = arith.divf %logistic3A_101, %logistic3A_102 : vector<256x3072xf32>
    %swap3A = arith.constant 0 : index
    %swap3A_104 = arith.constant 0 : index
    %swap3A_105 = vector.load %arg6[%swap3A, %swap3A_104] : memref<256x3072xf32, #tpu.memory_space<vmem>>, vector<256x3072xf32>
    tpu.vector_store %arg6[%swap3A, %swap3A_104], %logistic3A_103 {strides = array<i32>} : memref<256x3072xf32, #tpu.memory_space<vmem>>, vector<256x3072xf32>,
    return
  }
  func.func @transform_0(%arg0: i32) -> (i32, i32) {
    %c0_i32 = arith.constant 0 : i32
    %c0_i32_0 = arith.constant 0 : i32
    return %arg0, %c0_i32 : i32, i32
  }
  func.func @transform_1(%arg0: i32) -> (i32, i32) {
    %c0_i32 = arith.constant 0 : i32
    %c0_i32_0 = arith.constant 0 : i32
    %c0_i32_1 = arith.constant 0 : i32
    return %c0_i32, %c0_i32_0 : i32, i32
  }
  func.func @transform_2(%arg0: i32) -> (i32, i32) {
    %c0_i32 = arith.constant 0 : i32
    %c0_i32_0 = arith.constant 0 : i32
    %c0_i32_1 = arith.constant 0 : i32
    return %c0_i32, %c0_i32_0 : i32, i32
  }
  func.func @transform_3(%arg0: i32) -> (i32, i32) {
    %c0_i32 = arith.constant 0 : i32
    %c0_i32_0 = arith.constant 0 : i32
    %c0_i32_1 = arith.constant 0 : i32
    return %c0_i32, %c0_i32_0 : i32, i32
  }
  func.func @transform_4(%arg0: i32) -> (i32, i32) {
    %c0_i32 = arith.constant 0 : i32
    %c0_i32_0 = arith.constant 0 : i32
    %c0_i32_1 = arith.constant 0 : i32
    return %c0_i32, %c0_i32_0 : i32, i32
  }
  func.func @transform_5(%arg0: i32) -> (i32, i32) {
    %c0_i32 = arith.constant 0 : i32
    %c0_i32_0 = arith.constant 0 : i32
    return %arg0, %c0_i32 : i32, i32
  }
}

</mosaic_0001>

<sc_bundles>
// kernel: sparse-core-data-format-call.1.cloned.1.call-start
scs
called_computation.1_lowered:
.L_overlay_start_0:
0x0: {  	s2 =	sld [smem:$0x3FD9]  }
0x1: {  	s3 =	sld [smem:$0x3FFE];
	_ =	sdelay $0x1  }
0x2: {  	s1 =	srdreg.scid  }
0x3: {  	s0 =	sand.u32 $0x1, s1  }
0x4: {  	s15 =	sshll.u32 s0, $0xA;
	s2 =	sadd.s32 s3, s2  }
0x5: {  	s2 =	sadd.s32 s2, s15  }
0x6: {  	[smem:$0x3FBE] =	sst s2  }
0x7: {  	_ = 	snop  }
0x8: {  	s2 =	sld [smem:$0x3FD0];
	_ =	sdelay $0x2  }
0x9: {  	s16 =	simm.s32 $0xB;
	s4 =	simm.s32 $0x10  }
0xa: {  	[smem:s4], [sflag:s16] =	dma.local [hbm:s2], $0x1  }
0xb: {  	_ =	swait.eq [sflag:s16], $0x1  }
0xc: {  	[sflag:s16] =	ssyncset.done $0x0  }
0xd: {  	[sflag:s16] =	ssyncadd.s32 $0xFFFFFFFF  }
0xe: {  	s17 =	sld [smem:$0x11];
	(tm) =	ssettm $0x1  }
0xf: {  	s18 =	sld [smem:$0x3FFB];
	_ =	sdelay $0x3  }
0x10: {  	_ =	strace s18  }
0x11: {  	s3 =	sld [smem:$0x3FFC];
	_ =	sdelay $0x3  }
0x12: {  	_ =	strace s3  }
0x13: {  	s3 =	sld [smem:$0x3FFD];
	_ =	sdelay $0x3  }
0x14: {  	_ =	strace s3  }
0x15: {  	_ =	strace $0x8FFFFFFF  }
0x16: {  	s19 =	sld [smem:$0x3FDB];
	_ =	sdelay $0x1  }
0x17: {  	s20 =	simm.s32 $_scs_section_size  }
0x18: {  	s5 =	simm.s32 $_size__tile_overlayer_lowered;
	s6 =	simm.s32 $_tile_overlayer_lowered  }
0x19: {  	s23 =	simm.s32 $0x1BFF;
	s22 =	sshll.u32 s6, $0x1;
	s3 =	sadd.s32 s20, s19  }
0x1a: {  	s7 =	simm.s32 $0x0;
	s21 =	sshll.u32 s5, $0x1;
	s5 =	sadd.s32 s22, s3  }
0x1b: {  	[timem:s7], [sflag:s23] =	dma.local [hbm:s5], s21  }
0x1c: {  	_ =	swait.ge [sflag:s23], s21  }
0x1d: {  	s4 =	ssub.s32 $0x0, s21;
	[sflag:s23] =	ssyncset.done $0x0  }
0x1e: {  	[sflag:s23] =	ssyncadd.s32 s4;
	_ =	sdelay $0x1  }
0x1f: {  	s24 =	simm.s32 $0x1B8B  }
0x20: {  	_ =	swait.ge [sflag:s24], $0x1  }
0x21: {  	[sflag:s24] =	ssyncset.done $0x0  }
0x22: {  	s26 =	simm.s32 $0x1B8E;
	s25 =	sld [smem:$0x3FFE];
	[sflag:s24] =	ssyncadd.s32 $0xFFFFFFFF  }
0x23: {  	s27 =	simm.s32 $execute0_lowered;
	[smem:$0x3FD2] =	sst s26  }
0x24: {  	s5 =	sshll.u32 s27, $0x1;
	_ =	strace $0x80000046;
	[dreg:$0x1] =	wrdreg $0xFFFFFFFF  }
0x25: {  	s28 =	simm.s32 $_size_execute0_lowered;
	s3 =	sadd.s32 s3, s5;
	[dreg:$0x0] =	wrdreg $0x0  }
0x26: {  	s5 =	sshll.u32 s28, $0x1;
	[dreg:$0x2] =	wrdreg s3  }
0x27: {  	[dreg:$0x3] =	wrdreg s5  }
0x28: {  	[dreg:$0x4] =	wrdreg $0xC0  }
0x29: {  	_ =	task [dreg:s7], $0x5FFFF  }
0x2a: {  	[dreg:$0x1] =	wrdreg $0xFFFFFFFF  }
0x2b: {  	[dreg:$0x0] =	wrdreg $0x60  }
0x2c: {  	[dreg:$0x2] =	wrdreg s25  }
0x2d: {  	[dreg:$0x3] =	wrdreg s17  }
0x2e: {  	[dreg:$0x4] =	wrdreg $0xA  }
0x2f: {  	_ =	task.clear_ibuf [dreg:s7], $0x5FFFF;
	_ =	strace $0x90000046  }
0x30: {  	s29 =	simm.s32 $0xA;
	_ =	strace $0x80000048  }
0x31: {  	_ =	swait.ge [sflag:s29], $0x1  }
0x32: {  	[sflag:s29] =	ssyncadd.s32 $0xFFFFFFFF  }
0x33: {  	_ =	strace $0x90000048  }
0x34: {  	_ =	sfence  }
0x35: {  	s30 =	sld [smem:$0x0];
	_ =	sdelay $0x2  }
0x36: {  	s31 =	sshll.u32 s1, $0xD;
	s1 =	sshrl.u32 s1, $0x2  }
0x37: {  	s3 =	sand.u32 $0x4000, s31;
	s1 =	sadd.s32 s1, s30  }
0x38: {  	s0 =	sor.u32 s3, s0;
	s1 =	sshll.u32 s1, $0x11  }
0x39: {  	s0 =	sor.u32 s1, s0  }
0x3a: {  	s0 =	sadd.s32 $0x8F2B, s0  }
0x3b: {  	[sflag:s0] =	ssyncadd.remote.s32 $0x1  }
0x3c: {  	_ =	sfence.sel $0xFFFF  }
0x3d: {  	[dreg:$0x0] =	wrdreg $0xFFFFFFFF;
	(pc) =	sbr.abs _section_cstart, $3  }
0x3e: {  	[dreg:$0x1] =	wrdreg $0xFFFFFFFF  }
0x3f: {  	_ =	task.clear_ibuf [dreg:s7], $0x2FFFF;
	_ =	strace $0x9FFFFFFF  }
0x40: {  	(tm) =	ssettm $0x7FFFFFFF  }
0x41: {  	_ =	shalt  }
tec
execute0_lowered:
.L_overlay_start_1:
0x0: {  	(tag) =	ssettag $0x1  }
0x1: {  	s1 =	rddreg [dreg:$0x0]  }
0x2: {  	s2 =	rddreg [dreg:$0x1]  }
0x3: {  	s0 =	rddreg [dreg:$0x2]  }
0x4: {  	_ =	strace $0x80000047;
	s4 =	srdreg.scid;
	s6 =	simm.s32 $0x2  }
0x5: {  	s11 =	simm.s32 $0x0;
	p0 =	por $0x0, $0x0;
	s7 =	simm.s32 $0x1000  }
.Ltmp0:
0x6: {  	s12 =	simm.s32 $0x0;
	s9 =	simm.s32 $0x0;
	(pc) =	sbr.rel .LBB1_1-.Ltmp0, $4  }
0x7: {  	s8 =	simm.s32 $0x0;
	s3 =	sadd.s32 $0x1000, s1;
	s5 =	sshll.u32 s4, $0x4  }
0x8: {  	s1 =	stileid.u32;
	s4 =	simm.s32 $0x1;
	s5 =	sand.u32 $0x10, s5  }
0x9: {  	s18 =	simm.s32 $0x0;
	[sflag:s4] =	ssyncpa.u1 $0x0;
	s5 =	sor.u32 s1, s5  }
0xa: {  	[sflag:s6] =	ssyncpa.u1 $0x0;
	s6 =	simm.s32 $0x800;
	s10 =	smov.u32 s5  }
.LBB1_7:
0xb: {  	s13 =	sadd.s32 $0x8, s9  }
0xc: {  	s11 =	sadd.s32 $0x20, s10;
	s15 =	smov.u32 s10;
	p2 =	sgt.s32 s13, $0xF  }
0xd: {  	p1 =	slt.u32 s8, $0x2;
	s15 =	smov.u32 @p2 s11  }
0xe: {  	s8 =	sadd.s32 $0x1, s8;
	s13 =	simm.s32 @p2 $0x0;
	p2 =	sgt.s32 s15, $0x1FF  }
0xf: {  	s15 =	smov.u32 @p2 s5;
	p2 =	sne.s32 s8, $0x22  }
.Ltmp1:
0x10: {  	_ = 	snop;
	(pc) =	sbr.rel @!p2 .LBB1_8-.Ltmp1, $4  }
0x11: {  	s14 =	simm.s32 @!p1 $0x2  }
0x12: {  	s12 =	smov.u32 s10;
	_ =	swait.ge @!p1 [sflag:s14], $0x4000  }
0x13: {  	p0 =	por !p0, !p0;
	s11 =	smov.u32 s9;
	[sflag:s14] =	ssyncset.done @!p1 $0x0  }
0x14: {  	s9 =	smov.u32 s13;
	[sflag:s14] =	ssyncadd.s32 @!p1 $0xFFFFC000;
	s10 =	smov.u32 s15  }
.LBB1_1:
0x15: {  	p1 =	sgt.u32 s8, $0x1F  }
0x16: {  	s13 =	sxor.u32 @!p1 $0xFFFFFFFF, s8;
	s14 =	sshll.u32 @!p1 s10, $0xC  }
0x17: {  	s15 =	sshll.u32 @!p1 s9, $0x8;
	s13 =	sshll.u32 @!p1 s13, $0xE;
	s14 =	sadd.s32 @!p1 s3, s14  }
0x18: {  	s13 =	sand.u32 @!p1 $0x4000, s13;
	s14 =	sadd.s32 @!p1 s15, s14;
	s15 =	simm.s32 @!p1 $0x0  }
0x19: {  	[tilespmem:s13], [sflag:$0x1] =	stream.linear.gather @!p1 [hbm4b:s14+s15], $0x4000, $0x38;
	[tilespmem:$0x10000] =	vst v63  }
0x1a: {  	p1 =	seq.s32 s8, $0x0  }
0x1b: {  	p2 =	seq.s32 @!p1 s8, $0x21  }
0x1c: {  	p1 =	por p1, p2  }
.Ltmp2:
0x1d: {  	_ = 	snop;
	(pc) =	sbr.rel @p1 .LBB1_7-.Ltmp2, $1  }
0x1e: {  	_ =	sdelay $0x3  }
0x1f: {  	s13 =	simm.s32 $0x1  }
0x20: {  	_ =	swait.ge [sflag:s4], $0x4000;
	s31 =	sshll.u32 s8, $0xE;
	p1 =	por $0x0, $0x0  }
0x21: {  	s19 =	simm.s32 $0x0;
	s20 =	simm.s32 $0x0;
	s13 =	simm.s32 @!p0 $0x0  }
0x22: {  	[sflag:s4] =	ssyncset.done $0x0;
	s16 =	sand.u32 $0x4000, s31;
	s13 =	sshll.u32 s13, $0x10  }
0x23: {  	[sflag:s4] =	ssyncadd.s32 $0xFFFFC000;
	s17 =	sshrl.u32 s13, $0x2;
	s13 =	sor.u32 $0x8000, s16  }
0x24: {  	s14 =	sor.u32 $0x40, s17;
	s15 =	sor.u32 $0x8410, s17;
	s17 =	sadd.s32 $0x8400, s17  }
.LBB1_3:
0x25: {  	v1 =	vld [tilespmem:s14+$0xFFFFFFD0]  }
0x26: {  	v2 =	vld [tilespmem:s14+$0x430]  }
0x27: {  	s21 =	sshll.u32 s20, $0xB;
	v4 =	vld [tilespmem:s14+$0xFFFFFFE0]  }
0x28: {  	v7 =	vld [tilespmem:s14+$0xFFFFFFF0];
	v0 =	vmov s21  }
0x29: {  	v8 =	vld [tilespmem:s14+$0x0]  }
0x2a: {  	s30 =	sand.u32 $0x300, s18;
	v9 =	vld [tilespmem:s14+$0x10]  }
0x2b: {  	s22 =	sand.u32 $0x80, s18;
	v10 =	vld [tilespmem:s14+$0x20];
	s21 =	sadd.s32 s30, s16  }
0x2c: {  	v11 =	vld [tilespmem:s14+$0x30];
	s21 =	sadd.s32 s22, s21;
	s22 =	simm.s32 $0x1;
	[tilespmem:s15+$0x60] =	vst v2  }
0x2d: {  	s31 =	sshll.u32 s19, $0x2;
	s22 =	simm.s32 @!p1 $0x0;
	[tilespmem:s15+$0xFFFFFC00] =	vst v1;
	v3 =	vld.idx.msk [tilespmem:v0+s21+$0x400 ss:$0x1], $0xffff  }
0x2e: {  	v6 =	vld [tilespmem:s14+$0x3D0];
	s22 =	sshll.u32 s22, $0x9;
	[tilespmem:s15+$0xFFFFFC10] =	vst v4;
	s21 =	sand.u32 $0xFFFFFC00, s31  }
0x2f: {  	v5 =	vld [tilespmem:s14+$0x3E0];
	[tilespmem:s15+$0xFFFFFC20] =	vst v7;
	s21 =	sor.u32 s22, s21  }
0x30: {  	[tilespmem:s15+$0xFFFFFC30] =	vst v8;
	v4 =	vld [tilespmem:s14+$0x400];
	s21 =	sshrl.u32 s21, $0x2  }
0x31: {  	[tilespmem:s15+$0xFFFFFC40] =	vst v9;
	v1 =	vld [tilespmem:s14+$0x410];
	s21 =	sadd.s32 s21, s17  }
0x32: {  	[tilespmem:s21+$0x0] =	vst v3;
	v3 =	vld [tilespmem:s14+$0x3F0]  }
0x33: {  	s25 =	simm.s32 $0x80;
	s24 =	simm.s32 $0x100;
	[tilespmem:s15+$0xFFFFFC50] =	vst v10;
	v2 =	vld [tilespmem:s14+$0x420]  }
0x34: {  	s23 =	smov.u32 s15;
	s26 =	sand.u32 $0x300, s25;
	v7 =	vld [tilespmem:s14+$0xFFFFFFC0];
	[tilespmem:s15+$0xFFFFFC60] =	vst v11;
	s22 =	sadd.s32 $0x80, s14  }
.LBB1_4:
0x35: {  	p2 =	sne.s32 s24, $0x380;
	v8 =	vld [tilespmem:s22+$0xFFFFFFD0];
	s25 =	sand.u32 $0x80, s25;
	s26 =	sadd.s32 s26, s16;
	[tilespmem:s23+$0x0] =	vst v6  }
0x36: {  	s26 =	sadd.s32 s25, s26;
	v6 =	vld [tilespmem:s22+$0x430];
	[tilespmem:s23+$0x10] =	vst v5;
	s25 =	smov.u32 s24  }
0x37: {  	v5 =	vld.idx.msk [tilespmem:v0+s26+$0x400 ss:$0x1], $0xffff;
	[tilespmem:s23+$0x20] =	vst v3  }
0x38: {  	v3 =	vld [tilespmem:s22+$0xFFFFFFE0];
	[tilespmem:s23+$0x30] =	vst v4  }
0x39: {  	v4 =	vld [tilespmem:s22+$0xFFFFFFF0];
	[tilespmem:s23+$0xFFFFFBF0] =	vst v7  }
0x3a: {  	v7 =	vld [tilespmem:s22+$0x0];
	[tilespmem:s23+$0x40] =	vst v1  }
0x3b: {  	v1 =	vld [tilespmem:s22+$0x10];
	[tilespmem:s23+$0x50] =	vst v2;
	s23 =	sadd.s32 $0x800, s23  }
0x3c: {  	s21 =	sadd.s32 $0x800, s21;
	v2 =	vld [tilespmem:s22+$0x20];
	[tilespmem:s23+$0x60] =	vst v6  }
0x3d: {  	v9 =	vld [tilespmem:s22+$0x30];
	[tilespmem:s21+$0x0] =	vst v5  }
0x3e: {  	[tilespmem:s23+$0xFFFFFC00] =	vst v8;
	v6 =	vld [tilespmem:s22+$0x3D0]  }
0x3f: {  	[tilespmem:s23+$0xFFFFFC10] =	vst v3;
	v5 =	vld [tilespmem:s22+$0x3E0]  }
.Ltmp3:
0x40: {  	[tilespmem:s23+$0xFFFFFC20] =	vst v4;
	v3 =	vld [tilespmem:s22+$0x3F0];
	(pc) =	sbr.rel @p2 .LBB1_4-.Ltmp3, $4  }
0x41: {  	[tilespmem:s23+$0xFFFFFC30] =	vst v7;
	v4 =	vld [tilespmem:s22+$0x400]  }
0x42: {  	[tilespmem:s23+$0xFFFFFC40] =	vst v1;
	v1 =	vld [tilespmem:s22+$0x410]  }
0x43: {  	[tilespmem:s23+$0xFFFFFC50] =	vst v2;
	v2 =	vld [tilespmem:s22+$0x420]  }
0x44: {  	s24 =	sadd.s32 $0x80, s24;
	s26 =	sand.u32 $0x300, s25;
	v7 =	vld [tilespmem:s22+$0xFFFFFFC0];
	[tilespmem:s23+$0xFFFFFC60] =	vst v9;
	s22 =	sadd.s32 $0x80, s22  }
0x45: {  	[tilespmem:s23+$0x0] =	vst v6  }
0x46: {  	[tilespmem:s23+$0x10] =	vst v5  }
0x47: {  	v49 =	vld [tilespmem:s22+$0x430];
	[tilespmem:s23+$0x20] =	vst v3  }
0x48: {  	v50 =	vld [tilespmem:s22+$0xFFFFFFD0];
	[tilespmem:s23+$0x30] =	vst v4  }
0x49: {  	v51 =	vld [tilespmem:s22+$0xFFFFFFE0];
	[tilespmem:s23+$0x40] =	vst v1  }
0x4a: {  	v52 =	vld [tilespmem:s22+$0xFFFFFFF0];
	[tilespmem:s23+$0x50] =	vst v2  }
0x4b: {  	s31 =	sadd.s32 $0x800, s23;
	v53 =	vld [tilespmem:s22+$0x0];
	[tilespmem:s23+$0xFFFFFBF0] =	vst v7  }
0x4c: {  	v54 =	vld [tilespmem:s22+$0x10];
	[tilespmem:s31+$0x60] =	vst v49  }
0x4d: {  	v55 =	vld [tilespmem:s22+$0x20];
	[tilespmem:s31+$0xFFFFFC00] =	vst v50  }
0x4e: {  	v56 =	vld [tilespmem:s22+$0x30];
	[tilespmem:s31+$0xFFFFFC10] =	vst v51  }
0x4f: {  	v57 =	vld [tilespmem:s22+$0x3D0];
	[tilespmem:s31+$0xFFFFFC20] =	vst v52  }
0x50: {  	v58 =	vld [tilespmem:s22+$0x3E0];
	[tilespmem:s31+$0xFFFFFC30] =	vst v53  }
0x51: {  	v59 =	vld [tilespmem:s22+$0x3F0];
	[tilespmem:s31+$0xFFFFFC40] =	vst v54  }
0x52: {  	v60 =	vld [tilespmem:s22+$0x400];
	[tilespmem:s31+$0xFFFFFC50] =	vst v55  }
0x53: {  	v61 =	vld [tilespmem:s22+$0xFFFFFFC0];
	[tilespmem:s31+$0xFFFFFC60] =	vst v56  }
0x54: {  	s24 =	sand.u32 $0x80, s25;
	s30 =	sadd.s32 s26, s16;
	v62 =	vld [tilespmem:s22+$0x410];
	[tilespmem:s31+$0x0] =	vst v57  }
0x55: {  	v63 =	vld [tilespmem:s22+$0x420];
	s20 =	sadd.s32 $0x1, s20;
	s24 =	sadd.s32 s24, s30;
	[tilespmem:s31+$0x10] =	vst v58  }
0x56: {  	p2 =	sne.s32 s20, $0x8;
	v0 =	vld.idx.msk [tilespmem:v0+s24+$0x400 ss:$0x1], $0xffff;
	[tilespmem:s31+$0x20] =	vst v59  }
.Ltmp4:
0x57: {  	[tilespmem:s31+$0x30] =	vst v60;
	(pc) =	sbr.rel @p2 .LBB1_3-.Ltmp4, $4  }
0x58: {  	[tilespmem:s31+$0xFFFFFBF0] =	vst v61  }
0x59: {  	[tilespmem:s31+$0x40] =	vst v62  }
0x5a: {  	s21 =	sadd.s32 $0x800, s21;
	s14 =	sadd.s32 $0x800, s14;
	[tilespmem:s31+$0x50] =	vst v63  }
0x5b: {  	s19 =	sadd.s32 $0x80, s19;
	p1 =	por !p1, !p1;
	s15 =	sadd.s32 $0x80, s15;
	[tilespmem:s21+$0x0] =	vst v0  }
0x5c: {  	s14 =	sshll.u32 s11, $0x8;
	s31 =	sshll.u32 s11, $0x7  }
.Ltmp5:
0x5d: {  	s14 =	sand.u32 $0x800, s14;
	s11 =	sand.u32 $0x380, s31;
	(pc) =	sbr.rel .LBB1_7-.Ltmp5, $4  }
0x5e: {  	s12 =	sshll.u32 s12, $0xC;
	s11 =	sor.u32 s11, s14  }
0x5f: {  	s12 =	sadd.s32 s2, s12;
	s11 =	sshrl.u32 s11, $0x3  }
0x60: {  	s11 =	sadd.s32 s11, s12  }
0x61: {  	[hbm4b:s11+s6] =	stream.strided.scatter [tilespmem:s13], [sflag:$0x2], $0x4000, s7, s6, $0x38;
	[tilespmem:$0x10000] =	vst v63  }
.LBB1_8:
0x62: {  	_ =	sfence.sel $0x180000  }
0x63: {  	s2 =	simm.s32 $0x1;
	[bflag:$0x0] =	sbarrier.arrive $0xFFFF  }
0x64: {  	s31 =	simm.s32 $0x2;
	[sflag:s2] =	ssyncpa.u1 $0x1  }
0x65: {  	[sflag:s31] =	ssyncpa.u1 $0x1  }
0x66: {  	p0 =	sne.s32 s1, $0x0;
	_ =	strace $0x90000047  }
0x67: {  	s0 =	sadd.s32 @!p0 $0x100000, s0;
	[bflag:$0x2] =	sbarrier.arrive $0xFFFF  }
0x68: {  	[sflag:s0] =	ssyncadd.tile.s32 @!p0 $0x1;
	_ =	shalt  }
.Lfunc_end1:
_tile_overlayer_lowered:
.L_overlay_start_2:
0x69: {  	(tag) =	ssettag $0x2  }
0x6a: {  	s0 =	rddreg [dreg:$0x0];
	s2 =	stileid.u32  }
0x6b: {  	s1 =	rddreg [dreg:$0x1];
	p0 =	sne.s32 s2, $0x0  }
0x6c: {  	s3 =	rddreg [dreg:$0x2];
	[bflag:$0x3] =	sbarrier.arrive $0xFFFF;
	s2 =	simm.s32 @!p0 $0x1C01  }
0x6d: {  	[timem:s3], [sflag:s2] =	dma.local @!p0 [hbm:s0], s1  }
0x6e: {  	s0 =	simm.s32 @!p0 $0x1  }
0x6f: {  	_ =	swait.ge @!p0 [sflag:s0], s1  }
0x70: {  	s1 =	ssub.s32 @!p0 $0x0, s1;
	[sflag:s0] =	ssyncset.done @!p0 $0x0  }
0x71: {  	[sflag:s0] =	ssyncadd.s32 @!p0 s1  }
0x72: {  	[bflag:$0x3] =	sbarrier.arrive $0xFFFF  }
0x73: {  	_ =	shalt  }

// kernel: sparse-core-data-format-call.cloned.1.call-start
scs
called_computation_lowered:
.L_overlay_start_0:
0x0: {  	s2 =	sld [smem:$0x3FD9]  }
0x1: {  	s3 =	sld [smem:$0x3FFE];
	_ =	sdelay $0x1  }
0x2: {  	s1 =	srdreg.scid  }
0x3: {  	s0 =	sand.u32 $0x1, s1  }
0x4: {  	s16 =	sshll.u32 s0, $0xA;
	s2 =	sadd.s32 s3, s2  }
0x5: {  	s2 =	sadd.s32 s2, s16  }
0x6: {  	[smem:$0x3FBE] =	sst s2  }
0x7: {  	_ = 	snop  }
0x8: {  	s2 =	sld [smem:$0x3FD0];
	_ =	sdelay $0x2  }
0x9: {  	s17 =	simm.s32 $0xB;
	s4 =	simm.s32 $0x10  }
0xa: {  	[smem:s4], [sflag:s17] =	dma.local [hbm:s2], $0x1  }
0xb: {  	_ =	swait.eq [sflag:s17], $0x1  }
0xc: {  	[sflag:s17] =	ssyncset.done $0x0  }
0xd: {  	[sflag:s17] =	ssyncadd.s32 $0xFFFFFFFF  }
0xe: {  	s18 =	sld [smem:$0x12];
	(tm) =	ssettm $0x1  }
0xf: {  	s19 =	sld [smem:$0x3FFB];
	_ =	sdelay $0x3  }
0x10: {  	_ =	strace s19  }
0x11: {  	s2 =	sld [smem:$0x3FFC];
	_ =	sdelay $0x3  }
0x12: {  	_ =	strace s2  }
0x13: {  	s2 =	sld [smem:$0x3FFD];
	_ =	sdelay $0x3  }
0x14: {  	_ =	strace s2  }
0x15: {  	_ =	strace $0x8FFFFFFF  }
0x16: {  	s20 =	sld [smem:$0x3FDB];
	_ =	sdelay $0x1  }
0x17: {  	s21 =	simm.s32 $_scs_section_size  }
0x18: {  	s5 =	simm.s32 $_size__tile_overlayer_lowered;
	s6 =	simm.s32 $_tile_overlayer_lowered  }
0x19: {  	s7 =	simm.s32 $0x1BFF;
	s22 =	sshll.u32 s6, $0x1;
	s4 =	sadd.s32 s21, s20  }
0x1a: {  	s23 =	simm.s32 $0x0;
	s5 =	sshll.u32 s5, $0x1;
	s6 =	sadd.s32 s22, s4  }
0x1b: {  	[timem:s23], [sflag:s7] =	dma.local [hbm:s6], s5  }
0x1c: {  	_ =	swait.ge [sflag:s7], s5  }
0x1d: {  	s5 =	ssub.s32 $0x0, s5;
	[sflag:s7] =	ssyncset.done $0x0  }
0x1e: {  	[sflag:s7] =	ssyncadd.s32 s5;
	_ =	sdelay $0x1  }
0x1f: {  	s24 =	simm.s32 $0x1B8B  }
0x20: {  	_ =	swait.ge [sflag:s24], $0x1  }
0x21: {  	[sflag:s24] =	ssyncset.done $0x0  }
0x22: {  	[sflag:s24] =	ssyncadd.s32 $0xFFFFFFFF  }
0x23: {  	s5 =	sld [smem:$0x0]  }
0x24: {  	s6 =	sand.u32 $0xFFFFFFFE, s1  }
0x25: {  	p0 =	sne.s32 s1, s6  }
0x26: {  	s6 =	sshll.u32 @p0 s6, $0xE  }
0x27: {  	s6 =	sadd.s32 @p0 $0x11B8D, s6;
	s7 =	sshll.u32 @p0 s5, $0x11  }
0x28: {  	s6 =	sor.u32 @p0 s7, s6  }
0x29: {  	[sflag:s6] =	ssyncadd.remote.s32 @p0 $0x1;
	_ =	sdelay $0x1  }
0x2a: {  	s6 =	simm.s32 @p0 $0x1B8D  }
0x2b: {  	_ =	swait.eq @p0 [sflag:s6], $0x1  }
0x2c: {  	[sflag:s6] =	ssyncadd.s32 @p0 $0xFFFFFFFF  }
0x2d: {  	s7 =	sshll.u32 @!p0 s1, $0xE  }
0x2e: {  	s7 =	sor.u32 @!p0 $0x4000, s7;
	s6 =	simm.s32 @!p0 $0x1B8D  }
0x2f: {  	s5 =	sshll.u32 @!p0 s5, $0x11;
	s7 =	sadd.s32 @!p0 $0x11B8D, s7;
	_ =	swait.eq @!p0 [sflag:s6], $0x1  }
0x30: {  	s5 =	sor.u32 @!p0 s5, s7;
	[sflag:s6] =	ssyncadd.s32 @!p0 $0xFFFFFFFF  }
0x31: {  	s26 =	simm.s32 $0x1B8E;
	s25 =	sld [smem:$0x3FFE];
	[sflag:s5] =	ssyncadd.remote.s32 @!p0 $0x1  }
0x32: {  	s27 =	simm.s32 $execute0_lowered;
	[smem:$0x3FD2] =	sst s26  }
0x33: {  	s6 =	sshll.u32 s27, $0x1;
	_ =	strace $0x80000049;
	[dreg:$0x1] =	wrdreg $0xFFFFFFFF  }
0x34: {  	s28 =	simm.s32 $_size_execute0_lowered;
	s4 =	sadd.s32 s4, s6;
	[dreg:$0x0] =	wrdreg $0x0  }
0x35: {  	s6 =	sshll.u32 s28, $0x1;
	[dreg:$0x2] =	wrdreg s4  }
0x36: {  	[dreg:$0x3] =	wrdreg s6  }
0x37: {  	[dreg:$0x4] =	wrdreg $0xC0  }
0x38: {  	_ =	task [dreg:s23], $0x5FFFF  }
0x39: {  	[dreg:$0x1] =	wrdreg $0xFFFFFFFF  }
0x3a: {  	[dreg:$0x0] =	wrdreg $0x60  }
0x3b: {  	[dreg:$0x2] =	wrdreg s25  }
0x3c: {  	[dreg:$0x3] =	wrdreg s18  }
0x3d: {  	[dreg:$0x4] =	wrdreg $0x9  }
0x3e: {  	_ =	task.clear_ibuf [dreg:s23], $0x5FFFF;
	_ =	strace $0x90000049  }
0x3f: {  	s29 =	simm.s32 $0x9;
	_ =	strace $0x8000004B  }
0x40: {  	_ =	swait.ge [sflag:s29], $0x1  }
0x41: {  	[sflag:s29] =	ssyncadd.s32 $0xFFFFFFFF  }
0x42: {  	_ =	strace $0x9000004B  }
0x43: {  	_ =	sfence  }
0x44: {  	s30 =	sld [smem:$0x0];
	_ =	sdelay $0x2  }
0x45: {  	s31 =	sshll.u32 s1, $0xD;
	s1 =	sshrl.u32 s1, $0x2  }
0x46: {  	s4 =	sand.u32 $0x4000, s31;
	s1 =	sadd.s32 s1, s30  }
0x47: {  	s0 =	sor.u32 s4, s0;
	s1 =	sshll.u32 s1, $0x11  }
0x48: {  	s0 =	sor.u32 s1, s0  }
0x49: {  	s0 =	sadd.s32 $0x8F2B, s0  }
0x4a: {  	[sflag:s0] =	ssyncadd.remote.s32 $0x1  }
0x4b: {  	_ =	sfence.sel $0xFFFF  }
0x4c: {  	[dreg:$0x0] =	wrdreg $0xFFFFFFFF;
	(pc) =	sbr.abs _section_cstart, $3  }
0x4d: {  	[dreg:$0x1] =	wrdreg $0xFFFFFFFF  }
0x4e: {  	_ =	task.clear_ibuf [dreg:s23], $0x2FFFF;
	_ =	strace $0x9FFFFFFF  }
0x4f: {  	(tm) =	ssettm $0x7FFFFFFF  }
tec
execute0_lowered:
.L_overlay_start_1:
0x0: {  	(tag) =	ssettag $0x1  }
0x1: {  	s1 =	rddreg [dreg:$0x0]  }
0x2: {  	s2 =	rddreg [dreg:$0x1]  }
0x3: {  	s0 =	rddreg [dreg:$0x2]  }
0x4: {  	_ =	strace $0x8000004A;
	s4 =	srdreg.scid;
	s6 =	simm.s32 $0x2  }
0x5: {  	s11 =	simm.s32 $0x0;
	p0 =	por $0x0, $0x0;
	s7 =	simm.s32 $0x1000  }
.Ltmp0:
0x6: {  	s12 =	simm.s32 $0x0;
	s9 =	simm.s32 $0x0;
	(pc) =	sbr.rel .LBB1_1-.Ltmp0, $4  }
0x7: {  	s8 =	simm.s32 $0x0;
	s3 =	sadd.s32 $0x211000, s1;
	s5 =	sshll.u32 s4, $0x4  }
0x8: {  	s1 =	stileid.u32;
	s4 =	simm.s32 $0x1;
	s5 =	sand.u32 $0x10, s5  }
0x9: {  	s18 =	simm.s32 $0x0;
	[sflag:s4] =	ssyncpa.u1 $0x0;
	s5 =	sor.u32 s1, s5  }
0xa: {  	[sflag:s6] =	ssyncpa.u1 $0x0;
	s6 =	simm.s32 $0x800;
	s10 =	smov.u32 s5  }
.LBB1_7:
0xb: {  	s13 =	sadd.s32 $0x8, s9  }
0xc: {  	s11 =	sadd.s32 $0x20, s10;
	s15 =	smov.u32 s10;
	p2 =	sgt.s32 s13, $0xF  }
0xd: {  	p1 =	slt.u32 s8, $0x2;
	s15 =	smov.u32 @p2 s11  }
0xe: {  	s8 =	sadd.s32 $0x1, s8;
	s13 =	simm.s32 @p2 $0x0;
	p2 =	sgt.s32 s15, $0x1FF  }
0xf: {  	s15 =	smov.u32 @p2 s5;
	p2 =	sne.s32 s8, $0x22  }
.Ltmp1:
0x10: {  	_ = 	snop;
	(pc) =	sbr.rel @!p2 .LBB1_8-.Ltmp1, $4  }
0x11: {  	s14 =	simm.s32 @!p1 $0x2  }
0x12: {  	s12 =	smov.u32 s10;
	_ =	swait.ge @!p1 [sflag:s14], $0x4000  }
0x13: {  	p0 =	por !p0, !p0;
	s11 =	smov.u32 s9;
	[sflag:s14] =	ssyncset.done @!p1 $0x0  }
0x14: {  	s9 =	smov.u32 s13;
	[sflag:s14] =	ssyncadd.s32 @!p1 $0xFFFFC000;
	s10 =	smov.u32 s15  }
.LBB1_1:
0x15: {  	p1 =	sgt.u32 s8, $0x1F  }
0x16: {  	s13 =	sxor.u32 @!p1 $0xFFFFFFFF, s8;
	s14 =	sshll.u32 @!p1 s10, $0xC  }
0x17: {  	s15 =	sshll.u32 @!p1 s9, $0x8;
	s13 =	sshll.u32 @!p1 s13, $0xE;
	s14 =	sadd.s32 @!p1 s3, s14  }
0x18: {  	s13 =	sand.u32 @!p1 $0x4000, s13;
	s14 =	sadd.s32 @!p1 s15, s14;
	s15 =	simm.s32 @!p1 $0x0  }
0x19: {  	[tilespmem:s13], [sflag:$0x1] =	stream.linear.gather @!p1 [hbm4b:s14+s15], $0x4000, $0x38;
	[tilespmem:$0x10000] =	vst v63  }
0x1a: {  	p1 =	seq.s32 s8, $0x0  }
0x1b: {  	p2 =	seq.s32 @!p1 s8, $0x21  }
0x1c: {  	p1 =	por p1, p2  }
.Ltmp2:
0x1d: {  	_ = 	snop;
	(pc) =	sbr.rel @p1 .LBB1_7-.Ltmp2, $1  }
0x1e: {  	_ =	sdelay $0x3  }
0x1f: {  	s13 =	simm.s32 $0x1  }
0x20: {  	_ =	swait.ge [sflag:s4], $0x4000;
	s31 =	sshll.u32 s8, $0xE;
	p1 =	por $0x0, $0x0  }
0x21: {  	s19 =	simm.s32 $0x0;
	s20 =	simm.s32 $0x0;
	s13 =	simm.s32 @!p0 $0x0  }
0x22: {  	[sflag:s4] =	ssyncset.done $0x0;
	s16 =	sand.u32 $0x4000, s31;
	s13 =	sshll.u32 s13, $0x10  }
0x23: {  	[sflag:s4] =	ssyncadd.s32 $0xFFFFC000;
	s17 =	sshrl.u32 s13, $0x2;
	s13 =	sor.u32 $0x8000, s16  }
0x24: {  	s14 =	sor.u32 $0x40, s17;
	s15 =	sor.u32 $0x8410, s17;
	s17 =	sadd.s32 $0x8400, s17  }
.LBB1_3:
0x25: {  	v1 =	vld [tilespmem:s14+$0xFFFFFFD0]  }
0x26: {  	v2 =	vld [tilespmem:s14+$0x430]  }
0x27: {  	s21 =	sshll.u32 s20, $0xB;
	v4 =	vld [tilespmem:s14+$0xFFFFFFE0]  }
0x28: {  	v7 =	vld [tilespmem:s14+$0xFFFFFFF0];
	v0 =	vmov s21  }
0x29: {  	v8 =	vld [tilespmem:s14+$0x0]  }
0x2a: {  	s30 =	sand.u32 $0x300, s18;
	v9 =	vld [tilespmem:s14+$0x10]  }
0x2b: {  	s22 =	sand.u32 $0x80, s18;
	v10 =	vld [tilespmem:s14+$0x20];
	s21 =	sadd.s32 s30, s16  }
0x2c: {  	v11 =	vld [tilespmem:s14+$0x30];
	s21 =	sadd.s32 s22, s21;
	s22 =	simm.s32 $0x1;
	[tilespmem:s15+$0x60] =	vst v2  }
0x2d: {  	s31 =	sshll.u32 s19, $0x2;
	s22 =	simm.s32 @!p1 $0x0;
	[tilespmem:s15+$0xFFFFFC00] =	vst v1;
	v3 =	vld.idx.msk [tilespmem:v0+s21+$0x400 ss:$0x1], $0xffff  }
0x2e: {  	v6 =	vld [tilespmem:s14+$0x3D0];
	s22 =	sshll.u32 s22, $0x9;
	[tilespmem:s15+$0xFFFFFC10] =	vst v4;
	s21 =	sand.u32 $0xFFFFFC00, s31  }
0x2f: {  	v5 =	vld [tilespmem:s14+$0x3E0];
	[tilespmem:s15+$0xFFFFFC20] =	vst v7;
	s21 =	sor.u32 s22, s21  }
0x30: {  	[tilespmem:s15+$0xFFFFFC30] =	vst v8;
	v4 =	vld [tilespmem:s14+$0x400];
	s21 =	sshrl.u32 s21, $0x2  }
0x31: {  	[tilespmem:s15+$0xFFFFFC40] =	vst v9;
	v1 =	vld [tilespmem:s14+$0x410];
	s21 =	sadd.s32 s21, s17  }
0x32: {  	[tilespmem:s21+$0x0] =	vst v3;
	v3 =	vld [tilespmem:s14+$0x3F0]  }
0x33: {  	s25 =	simm.s32 $0x80;
	s24 =	simm.s32 $0x100;
	[tilespmem:s15+$0xFFFFFC50] =	vst v10;
	v2 =	vld [tilespmem:s14+$0x420]  }
0x34: {  	s23 =	smov.u32 s15;
	s26 =	sand.u32 $0x300, s25;
	v7 =	vld [tilespmem:s14+$0xFFFFFFC0];
	[tilespmem:s15+$0xFFFFFC60] =	vst v11;
	s22 =	sadd.s32 $0x80, s14  }
.LBB1_4:
0x35: {  	p2 =	sne.s32 s24, $0x380;
	v8 =	vld [tilespmem:s22+$0xFFFFFFD0];
	s25 =	sand.u32 $0x80, s25;
	s26 =	sadd.s32 s26, s16;
	[tilespmem:s23+$0x0] =	vst v6  }
0x36: {  	s26 =	sadd.s32 s25, s26;
	v6 =	vld [tilespmem:s22+$0x430];
	[tilespmem:s23+$0x10] =	vst v5;
	s25 =	smov.u32 s24  }
0x37: {  	v5 =	vld.idx.msk [tilespmem:v0+s26+$0x400 ss:$0x1], $0xffff;
	[tilespmem:s23+$0x20] =	vst v3  }
0x38: {  	v3 =	vld [tilespmem:s22+$0xFFFFFFE0];
	[tilespmem:s23+$0x30] =	vst v4  }
0x39: {  	v4 =	vld [tilespmem:s22+$0xFFFFFFF0];
	[tilespmem:s23+$0xFFFFFBF0] =	vst v7  }
0x3a: {  	v7 =	vld [tilespmem:s22+$0x0];
	[tilespmem:s23+$0x40] =	vst v1  }
0x3b: {  	v1 =	vld [tilespmem:s22+$0x10];
	[tilespmem:s23+$0x50] =	vst v2;
	s23 =	sadd.s32 $0x800, s23  }
0x3c: {  	s21 =	sadd.s32 $0x800, s21;
	v2 =	vld [tilespmem:s22+$0x20];
	[tilespmem:s23+$0x60] =	vst v6  }
0x3d: {  	v9 =	vld [tilespmem:s22+$0x30];
	[tilespmem:s21+$0x0] =	vst v5  }
0x3e: {  	[tilespmem:s23+$0xFFFFFC00] =	vst v8;
	v6 =	vld [tilespmem:s22+$0x3D0]  }
0x3f: {  	[tilespmem:s23+$0xFFFFFC10] =	vst v3;
	v5 =	vld [tilespmem:s22+$0x3E0]  }
.Ltmp3:
0x40: {  	[tilespmem:s23+$0xFFFFFC20] =	vst v4;
	v3 =	vld [tilespmem:s22+$0x3F0];
	(pc) =	sbr.rel @p2 .LBB1_4-.Ltmp3, $4  }
0x41: {  	[tilespmem:s23+$0xFFFFFC30] =	vst v7;
	v4 =	vld [tilespmem:s22+$0x400]  }
0x42: {  	[tilespmem:s23+$0xFFFFFC40] =	vst v1;
	v1 =	vld [tilespmem:s22+$0x410]  }
0x43: {  	[tilespmem:s23+$0xFFFFFC50] =	vst v2;
	v2 =	vld [tilespmem:s22+$0x420]  }
0x44: {  	s24 =	sadd.s32 $0x80, s24;
	s26 =	sand.u32 $0x300, s25;
	v7 =	vld [tilespmem:s22+$0xFFFFFFC0];
	[tilespmem:s23+$0xFFFFFC60] =	vst v9;
	s22 =	sadd.s32 $0x80, s22  }
0x45: {  	[tilespmem:s23+$0x0] =	vst v6  }
0x46: {  	[tilespmem:s23+$0x10] =	vst v5  }
0x47: {  	v49 =	vld [tilespmem:s22+$0x430];
	[tilespmem:s23+$0x20] =	vst v3  }
0x48: {  	v50 =	vld [tilespmem:s22+$0xFFFFFFD0];
	[tilespmem:s23+$0x30] =	vst v4  }
0x49: {  	v51 =	vld [tilespmem:s22+$0xFFFFFFE0];
	[tilespmem:s23+$0x40] =	vst v1  }
0x4a: {  	v52 =	vld [tilespmem:s22+$0xFFFFFFF0];
	[tilespmem:s23+$0x50] =	vst v2  }
0x4b: {  	s31 =	sadd.s32 $0x800, s23;
	v53 =	vld [tilespmem:s22+$0x0];
	[tilespmem:s23+$0xFFFFFBF0] =	vst v7  }
0x4c: {  	v54 =	vld [tilespmem:s22+$0x10];
	[tilespmem:s31+$0x60] =	vst v49  }
0x4d: {  	v55 =	vld [tilespmem:s22+$0x20];
	[tilespmem:s31+$0xFFFFFC00] =	vst v50  }
0x4e: {  	v56 =	vld [tilespmem:s22+$0x30];
	[tilespmem:s31+$0xFFFFFC10] =	vst v51  }
0x4f: {  	v57 =	vld [tilespmem:s22+$0x3D0];
	[tilespmem:s31+$0xFFFFFC20] =	vst v52  }
0x50: {  	v58 =	vld [tilespmem:s22+$0x3E0];
	[tilespmem:s31+$0xFFFFFC30] =	vst v53  }
0x51: {  	v59 =	vld [tilespmem:s22+$0x3F0];
	[tilespmem:s31+$0xFFFFFC40] =	vst v54  }
0x52: {  	v60 =	vld [tilespmem:s22+$0x400];
	[tilespmem:s31+$0xFFFFFC50] =	vst v55  }
0x53: {  	v61 =	vld [tilespmem:s22+$0xFFFFFFC0];
	[tilespmem:s31+$0xFFFFFC60] =	vst v56  }
0x54: {  	s24 =	sand.u32 $0x80, s25;
	s30 =	sadd.s32 s26, s16;
	v62 =	vld [tilespmem:s22+$0x410];
	[tilespmem:s31+$0x0] =	vst v57  }
0x55: {  	v63 =	vld [tilespmem:s22+$0x420];
	s20 =	sadd.s32 $0x1, s20;
	s24 =	sadd.s32 s24, s30;
	[tilespmem:s31+$0x10] =	vst v58  }
0x56: {  	p2 =	sne.s32 s20, $0x8;
	v0 =	vld.idx.msk [tilespmem:v0+s24+$0x400 ss:$0x1], $0xffff;
	[tilespmem:s31+$0x20] =	vst v59  }
.Ltmp4:
0x57: {  	[tilespmem:s31+$0x30] =	vst v60;
	(pc) =	sbr.rel @p2 .LBB1_3-.Ltmp4, $4  }
0x58: {  	[tilespmem:s31+$0xFFFFFBF0] =	vst v61  }
0x59: {  	[tilespmem:s31+$0x40] =	vst v62  }
0x5a: {  	s21 =	sadd.s32 $0x800, s21;
	s14 =	sadd.s32 $0x800, s14;
	[tilespmem:s31+$0x50] =	vst v63  }
0x5b: {  	s19 =	sadd.s32 $0x80, s19;
	p1 =	por !p1, !p1;
	s15 =	sadd.s32 $0x80, s15;
	[tilespmem:s21+$0x0] =	vst v0  }
0x5c: {  	s14 =	sshll.u32 s11, $0x8;
	s31 =	sshll.u32 s11, $0x7  }
.Ltmp5:
0x5d: {  	s14 =	sand.u32 $0x800, s14;
	s11 =	sand.u32 $0x380, s31;
	(pc) =	sbr.rel .LBB1_7-.Ltmp5, $4  }
0x5e: {  	s12 =	sshll.u32 s12, $0xC;
	s11 =	sor.u32 s11, s14  }
0x5f: {  	s12 =	sadd.s32 s2, s12;
	s11 =	sshrl.u32 s11, $0x3  }
0x60: {  	s11 =	sadd.s32 s11, s12  }
0x61: {  	[hbm4b:s11+s6] =	stream.strided.scatter [tilespmem:s13], [sflag:$0x2], $0x4000, s7, s6, $0x38;
	[tilespmem:$0x10000] =	vst v63  }
.LBB1_8:
0x62: {  	_ =	sfence.sel $0x180000  }
0x63: {  	s2 =	simm.s32 $0x1;
	[bflag:$0x0] =	sbarrier.arrive $0xFFFF  }
0x64: {  	s31 =	simm.s32 $0x2;
	[sflag:s2] =	ssyncpa.u1 $0x1  }
0x65: {  	[sflag:s31] =	ssyncpa.u1 $0x1  }
0x66: {  	p0 =	sne.s32 s1, $0x0;
	_ =	strace $0x9000004A  }
0x67: {  	s0 =	sadd.s32 @!p0 $0x100000, s0;
	[bflag:$0x2] =	sbarrier.arrive $0xFFFF  }
0x68: {  	[sflag:s0] =	ssyncadd.tile.s32 @!p0 $0x1;
	_ =	shalt  }
.Lfunc_end1:
_tile_overlayer_lowered:
.L_overlay_start_2:
0x69: {  	(tag) =	ssettag $0x2  }
0x6a: {  	s0 =	rddreg [dreg:$0x0];
	s2 =	stileid.u32  }
0x6b: {  	s1 =	rddreg [dreg:$0x1];
	p0 =	sne.s32 s2, $0x0  }
0x6c: {  	s3 =	rddreg [dreg:$0x2];
	[bflag:$0x3] =	sbarrier.arrive $0xFFFF;
	s2 =	simm.s32 @!p0 $0x1C01  }
0x6d: {  	[timem:s3], [sflag:s2] =	dma.local @!p0 [hbm:s0], s1  }
0x6e: {  	s0 =	simm.s32 @!p0 $0x1  }
0x6f: {  	_ =	swait.ge @!p0 [sflag:s0], s1  }
0x70: {  	s1 =	ssub.s32 @!p0 $0x0, s1;
	[sflag:s0] =	ssyncset.done @!p0 $0x0  }
0x71: {  	[sflag:s0] =	ssyncadd.s32 @!p0 s1  }
0x72: {  	[bflag:$0x3] =	sbarrier.arrive $0xFFFF  }
0x73: {  	_ =	shalt  }

</sc_bundles>
